<compile_context>
chip_gen: v7x
topology: tpu7x:2x2x1
jax: 0.10.2.dev20260603
libtpu: 0.0.44.dev20260713+nightly
codegen_flags: <defaults>
</compile_context>

<pallas_src>
import functools

import jax
import jax.numpy as jnp
from jax import lax
from jax.experimental import pallas as pl
from jax.experimental.pallas import tpu as pltpu
from jax.experimental.pallas import tpu_sc as plsc



def _padded_nodes(n_nodes: int) -> int:
    return -(-n_nodes // 128) * 128


def _make_seg_sum(n_nodes: int, n_edges: int, half: int):
    NSC = 2
    NT = 16
    CHUNK = 80
    ept = n_edges // NT
    n_chunks = ept // CHUNK
    assert ept * NT == n_edges and n_chunks * CHUNK == ept
    n_pad = _padded_nodes(n_nodes)
    rpt = n_pad // NT

    mesh = plsc.VectorSubcoreMesh(core_axis_name="c", subcore_axis_name="s")

    @functools.partial(
        pl.kernel,
        out_type=jax.ShapeDtypeStruct((NSC * n_pad, half), jnp.float32),
        mesh=mesh,
        compiler_params=pltpu.CompilerParams(use_tc_tiling_on_sc=False),
        scratch_types=[
            pltpu.VMEM((CHUNK,), jnp.int32),
            pltpu.VMEM((CHUNK,), jnp.int32),
            pltpu.VMEM((CHUNK, half), jnp.float32),
            pltpu.VMEM_SHARED((n_pad, half), jnp.float32),
            pltpu.SemaphoreType.DMA,
        ],
    )
    def seg_sum(xs_hbm, src_hbm, dst_hbm, zeros_hbm, out_hbm,
                srcv, dstv, rows, acc, sem):
        c = lax.axis_index("c")
        s = lax.axis_index("s")

        pltpu.sync_copy(zeros_hbm, acc.at[pl.ds(s * rpt, rpt)])
        plsc.subcore_barrier()

        tbl_off = c * n_nodes

        def body(j, carry):
            e0 = s * ept + j * CHUNK
            pltpu.sync_copy(src_hbm.at[pl.ds(e0, CHUNK)], srcv)
            pltpu.sync_copy(dst_hbm.at[pl.ds(e0, CHUNK)], dstv)
            for i in range(CHUNK // 16):
                srcv[pl.ds(i * 16, 16)] = srcv[pl.ds(i * 16, 16)] + tbl_off
            pltpu.async_copy(xs_hbm.at[srcv], rows, sem).wait()
            pltpu.sync_copy(rows, acc.at[dstv], add=True)
            return carry

        lax.fori_loop(0, n_chunks, body, 0)
        plsc.subcore_barrier()

        pltpu.sync_copy(acc.at[pl.ds(s * rpt, rpt)],
                        out_hbm.at[pl.ds(c * n_pad + s * rpt, rpt)])

    return seg_sum



def _mlp_call(x, a0, a1, W1, b1, W2, b2, *, final_relu: bool,
              emit_split: bool, block_rows: int):
    n, d = x.shape
    half = d // 2
    nb = n // block_rows
    assert nb * block_rows == n

    def body(x_ref, a0_ref, a1_ref, w1_ref, b1_ref, w2_ref, b2_ref, *outs):
        u = x_ref[...] + jnp.concatenate([a0_ref[...], a1_ref[...]], axis=1)
        t = jnp.maximum(jnp.dot(u, w1_ref[...],
                                preferred_element_type=jnp.float32)
                        + b1_ref[...], 0.0)
        o = jnp.dot(t, w2_ref[...], preferred_element_type=jnp.float32) \
            + b2_ref[...]
        if final_relu:
            o = jnp.maximum(o, 0.0)
        outs[0][...] = o
        if emit_split:
            outs[1][0] = o[:, :half]
            outs[1][1] = o[:, half:]

    out_shapes = [jax.ShapeDtypeStruct((n, d), jnp.float32)]
    out_specs = [pl.BlockSpec((block_rows, d), lambda i: (i, 0))]
    if emit_split:
        out_shapes.append(jax.ShapeDtypeStruct((2, n, half), jnp.float32))
        out_specs.append(pl.BlockSpec((2, block_rows, half),
                                      lambda i: (0, i, 0)))

    return pl.pallas_call(
        body,
        grid=(nb,),
        in_specs=[
            pl.BlockSpec((block_rows, d), lambda i: (i, 0)),
            pl.BlockSpec((block_rows, half), lambda i: (i, 0)),
            pl.BlockSpec((block_rows, half), lambda i: (i, 0)),
            pl.BlockSpec((d, d), lambda i: (0, 0)),
            pl.BlockSpec((1, d), lambda i: (0, 0)),
            pl.BlockSpec((d, d), lambda i: (0, 0)),
            pl.BlockSpec((1, d), lambda i: (0, 0)),
        ],
        out_specs=out_specs,
        out_shape=out_shapes,
    )(x, a0, a1, W1, b1.reshape(1, d), W2, b2.reshape(1, d))


def kernel(x, edge_index, W1, b1, W2, b2):
    n, d = x.shape
    e = edge_index.shape[1]
    half = d // 2
    src = edge_index[0]
    dst = edge_index[1]

    xs = x.reshape(n, 2, half).transpose(1, 0, 2).reshape(2 * n, half)
    n_pad = _padded_nodes(n)
    zeros = jnp.zeros((n_pad // 16, half), jnp.float32)

    seg_sum = _make_seg_sum(n, e, half)

    agg1 = seg_sum(xs, src, dst, zeros)
    h, hs = _mlp_call(x, agg1[:n], agg1[n_pad:n_pad + n], W1, b1, W2, b2,
                      final_relu=True, emit_split=True, block_rows=2000)
    agg2 = seg_sum(hs.reshape(2 * n, half), src, dst, zeros)
    (z,) = _mlp_call(h, agg2[:n], agg2[n_pad:n_pad + n], W1, b1, W2, b2,
                     final_relu=False, emit_split=False, block_rows=2000)
    return z

# --- scband reference (transcript-rebuilt; emitter-appended) ---
"""Pipeline reference for scband-gin-1614907703896 (READ-ONLY COPY).

The authoritative reference and input builder live on the scoring server;
editing this copy changes nothing except your own understanding.
"""

import jax, jax.numpy as jnp
import numpy as np

N = 50000
E = 800000
D = 64

def setup_inputs(seed: int = 0) -> dict:
    key = jax.random.key(seed)
    k1, k2, k3, k4, k5, k6 = jax.random.split(key, 6)
    x = jax.random.normal(k1, (N, D), dtype=jnp.float32)
    edge_index = jax.random.randint(k2, (2, E), 0, N, dtype=jnp.int32)
    # Shared MLP weights (conv1 and conv2 share the same Seq instance in the torch code)
    W1 = jax.random.normal(k3, (D, 64), dtype=jnp.float32) * 0.05
    b1 = jnp.zeros((64,), dtype=jnp.float32)
    W2 = jax.random.normal(k4, (64, 64), dtype=jnp.float32) * 0.05
    b2 = jnp.zeros((64,), dtype=jnp.float32)
    return {"x": x, "edge_index": edge_index, "W1": W1, "b1": b1, "W2": W2, "b2": b2}

def reference(x, edge_index, W1, b1, W2, b2):
    # GINConv (eps=0): out = nn(x + sum_{j in N(i)} x_j)
    def mlp(h):
        return jnp.maximum(h @ W1 + b1, 0.0) @ W2 + b2
    src = edge_index[0]
    dst = edge_index[1]
    # conv1
    agg1 = jax.ops.segment_sum(x[src], dst, num_segments=N)
    h = mlp(x + agg1)
    h = jnp.maximum(h, 0.0)  # F.relu between convs in encode()
    # conv2 (shared MLP weights)
    agg2 = jax.ops.segment_sum(h[src], dst, num_segments=N)
    z = mlp(h + agg2)
    return z

if __name__ == "__main__":
    import jax
    _d = setup_inputs()
    print(jax.jit(kernel)(*tuple(_d.values())))

</pallas_src>

<mosaic_0001>
#map = affine_map<(d0, d1) -> (0, 0)>
#map1 = affine_map<(d0, d1) -> (0)>
module attributes {stable_mosaic.version = 14 : i64} {
  func.func @seg_sum(%arg0: i32, %arg1: i32, %arg2: memref<100000x32xf32, #tpu.memory_space<hbm>>, %arg3: memref<800000xi32, #tpu.memory_space<hbm>>, %arg4: memref<800000xi32, #tpu.memory_space<hbm>>, %arg5: memref<3128x32xf32, #tpu.memory_space<hbm>>, %arg6: memref<100096x32xf32, #tpu.memory_space<hbm>>, %arg7: memref<80xi32, #tpu.memory_space<vmem>>, %arg8: memref<80xi32, #tpu.memory_space<vmem>>, %arg9: memref<80x32xf32, #tpu.memory_space<vmem>>, %arg10: memref<50048x32xf32, #tpu.memory_space<vmem_shared>>, %arg11: memref<!tpu.dma_semaphore, #tpu.memory_space<semaphore_mem>>) attributes {dimension_semantics = [#tpu.dimension_semantics<core_parallel>, #tpu.dimension_semantics<subcore_parallel>], iteration_bounds = array<i64: 2, 16>, scalar_prefetch = 0 : i64, scratch_operands = 5 : i64, tpu.core_type = #tpu.core_type<sc_vector_subcore>, window_params = [{transform_indices = #map}, {transform_indices = #map1}, {transform_indices = #map1}, {transform_indices = #map}, {transform_indices = #map}]} {
    %mul3A = arith.constant 3128 : i32
    %mul3A_0 = arith.muli %arg1, %mul3A : i32
    "tpu.region"() ({
      %run_scoped3A = tpu.sem_alloc : memref<!tpu.dma_semaphore, #tpu.memory_space<semaphore_mem>>
      %dma_start3A = arith.constant 0 : i32
      %dma_start3A_15 = tpu.memref_slice %arg10[%mul3A_0, %dma_start3A] : memref<50048x32xf32, #tpu.memory_space<vmem_shared>> -> memref<3128x32xf32, #tpu.memory_space<vmem_shared>>
      tpu.enqueue_dma source(%arg5 : memref<3128x32xf32, #tpu.memory_space<hbm>>) target(%dma_start3A_15 : memref<3128x32xf32, #tpu.memory_space<vmem_shared>>) target_semaphore(%run_scoped3A : memref<!tpu.dma_semaphore, #tpu.memory_space<semaphore_mem>>)
      %dma_wait3A = arith.constant 0 : i32
      %dma_wait3A_16 = tpu.memref_slice %arg10[%mul3A_0, %dma_wait3A] : memref<50048x32xf32, #tpu.memory_space<vmem_shared>> -> memref<3128x32xf32, #tpu.memory_space<vmem_shared>>
      tpu.wait_dma2 semaphore(%run_scoped3A : memref<!tpu.dma_semaphore, #tpu.memory_space<semaphore_mem>>) src(%arg5 : memref<3128x32xf32, #tpu.memory_space<hbm>>) dst(%dma_wait3A_16 : memref<3128x32xf32, #tpu.memory_space<vmem_shared>>)
      tpu.yield
    }) : () -> ()
    %barrier3A = arith.constant 0 : index
    tpu.barrier barrier_id(%barrier3A)
    %mul3A_1 = arith.constant 50000 : i32
    %mul3A_2 = arith.muli %arg0, %mul3A_1 : i32
    %scan3A = arith.constant 0 : i32
    %scan3A_3 = arith.constant 0 : i32
    %scan3A_4 = arith.constant 625 : i32
    %scan3A_5 = arith.addi %scan3A_3, %scan3A_4 : i32
    %scan3A_6 = arith.constant 1 : i32
    scf.for %scan3A_15 = %scan3A_3 to %scan3A_5 step %scan3A_6  : i32 {
      %mul3A_16 = arith.constant 50000 : i32
      %mul3A_17 = arith.muli %arg1, %mul3A_16 : i32
      %mul3A_18 = arith.constant 80 : i32
      %mul3A_19 = arith.muli %scan3A_15, %mul3A_18 : i32
      %add3A_20 = arith.addi %mul3A_17, %mul3A_19 : i32
      "tpu.region"() ({
        %run_scoped3A = tpu.sem_alloc : memref<!tpu.dma_semaphore, #tpu.memory_space<semaphore_mem>>
        %dma_start3A_68 = tpu.memref_slice %arg3[%add3A_20] : memref<800000xi32, #tpu.memory_space<hbm>> -> memref<80xi32, #tpu.memory_space<hbm>>
        %dma_start3A_69 = tpu.memref_slice %arg3[%add3A_20] : memref<800000xi32, #tpu.memory_space<hbm>> -> memref<80xi32, #tpu.memory_space<hbm>>
        tpu.enqueue_dma source(%dma_start3A_69 : memref<80xi32, #tpu.memory_space<hbm>>) target(%arg7 : memref<80xi32, #tpu.memory_space<vmem>>) target_semaphore(%run_scoped3A : memref<!tpu.dma_semaphore, #tpu.memory_space<semaphore_mem>>)
        %dma_wait3A_70 = tpu.memref_slice %arg3[%add3A_20] : memref<800000xi32, #tpu.memory_space<hbm>> -> memref<80xi32, #tpu.memory_space<hbm>>
        %dma_wait3A_71 = tpu.memref_slice %arg3[%add3A_20] : memref<800000xi32, #tpu.memory_space<hbm>> -> memref<80xi32, #tpu.memory_space<hbm>>
        tpu.wait_dma2 semaphore(%run_scoped3A : memref<!tpu.dma_semaphore, #tpu.memory_space<semaphore_mem>>) src(%dma_wait3A_71 : memref<80xi32, #tpu.memory_space<hbm>>) dst(%arg7 : memref<80xi32, #tpu.memory_space<vmem>>)
        tpu.yield
      }) : () -> ()
      "tpu.region"() ({
        %run_scoped3A = tpu.sem_alloc : memref<!tpu.dma_semaphore, #tpu.memory_space<semaphore_mem>>
        %dma_start3A_68 = tpu.memref_slice %arg4[%add3A_20] : memref<800000xi32, #tpu.memory_space<hbm>> -> memref<80xi32, #tpu.memory_space<hbm>>
        %dma_start3A_69 = tpu.memref_slice %arg4[%add3A_20] : memref<800000xi32, #tpu.memory_space<hbm>> -> memref<80xi32, #tpu.memory_space<hbm>>
        tpu.enqueue_dma source(%dma_start3A_69 : memref<80xi32, #tpu.memory_space<hbm>>) target(%arg8 : memref<80xi32, #tpu.memory_space<vmem>>) target_semaphore(%run_scoped3A : memref<!tpu.dma_semaphore, #tpu.memory_space<semaphore_mem>>)
        %dma_wait3A_70 = tpu.memref_slice %arg4[%add3A_20] : memref<800000xi32, #tpu.memory_space<hbm>> -> memref<80xi32, #tpu.memory_space<hbm>>
        %dma_wait3A_71 = tpu.memref_slice %arg4[%add3A_20] : memref<800000xi32, #tpu.memory_space<hbm>> -> memref<80xi32, #tpu.memory_space<hbm>>
        tpu.wait_dma2 semaphore(%run_scoped3A : memref<!tpu.dma_semaphore, #tpu.memory_space<semaphore_mem>>) src(%dma_wait3A_71 : memref<80xi32, #tpu.memory_space<hbm>>) dst(%arg8 : memref<80xi32, #tpu.memory_space<vmem>>)
        tpu.yield
      }) : () -> ()
      %get3A = arith.constant 0 : index
      %get3A_21 = tpu.vector_load %arg7[%get3A] {strides = array<i32>} : memref<80xi32, #tpu.memory_space<vmem>>, vector<16xi32>,
      %get3A_22 = vector.shape_cast %get3A_21 : vector<16xi32> to vector<16xi32>
      %add3A_23 = vector.broadcast %mul3A_2 : i32 to vector<16xi32>
      %add3A_24 = arith.addi %get3A_22, %add3A_23 : vector<16xi32>
      %swap3A = arith.constant 0 : index
      %swap3A_25 = tpu.vector_load %arg7[%swap3A] {strides = array<i32>} : memref<80xi32, #tpu.memory_space<vmem>>, vector<16xi32>,
      %swap3A_26 = vector.shape_cast %swap3A_25 : vector<16xi32> to vector<16xi32>
      %swap3A_27 = vector.shape_cast %add3A_24 : vector<16xi32> to vector<16xi32>
      tpu.vector_store %arg7[%swap3A], %swap3A_27 {strides = array<i32>} : memref<80xi32, #tpu.memory_space<vmem>>, vector<16xi32>,
      %get3A_28 = arith.constant 16 : index
      %get3A_29 = tpu.vector_load %arg7[%get3A_28] {strides = array<i32>} : memref<80xi32, #tpu.memory_space<vmem>>, vector<16xi32>,
      %get3A_30 = vector.shape_cast %get3A_29 : vector<16xi32> to vector<16xi32>
      %add3A_31 = vector.broadcast %mul3A_2 : i32 to vector<16xi32>
      %add3A_32 = arith.addi %get3A_30, %add3A_31 : vector<16xi32>
      %swap3A_33 = arith.constant 16 : index
      %swap3A_34 = tpu.vector_load %arg7[%swap3A_33] {strides = array<i32>} : memref<80xi32, #tpu.memory_space<vmem>>, vector<16xi32>,
      %swap3A_35 = vector.shape_cast %swap3A_34 : vector<16xi32> to vector<16xi32>
      %swap3A_36 = vector.shape_cast %add3A_32 : vector<16xi32> to vector<16xi32>
      tpu.vector_store %arg7[%swap3A_33], %swap3A_36 {strides = array<i32>} : memref<80xi32, #tpu.memory_space<vmem>>, vector<16xi32>,
      %get3A_37 = arith.constant 32 : index
      %get3A_38 = tpu.vector_load %arg7[%get3A_37] {strides = array<i32>} : memref<80xi32, #tpu.memory_space<vmem>>, vector<16xi32>,
      %get3A_39 = vector.shape_cast %get3A_38 : vector<16xi32> to vector<16xi32>
      %add3A_40 = vector.broadcast %mul3A_2 : i32 to vector<16xi32>
      %add3A_41 = arith.addi %get3A_39, %add3A_40 : vector<16xi32>
      %swap3A_42 = arith.constant 32 : index
      %swap3A_43 = tpu.vector_load %arg7[%swap3A_42] {strides = array<i32>} : memref<80xi32, #tpu.memory_space<vmem>>, vector<16xi32>,
      %swap3A_44 = vector.shape_cast %swap3A_43 : vector<16xi32> to vector<16xi32>
      %swap3A_45 = vector.shape_cast %add3A_41 : vector<16xi32> to vector<16xi32>
      tpu.vector_store %arg7[%swap3A_42], %swap3A_45 {strides = array<i32>} : memref<80xi32, #tpu.memory_space<vmem>>, vector<16xi32>,
      %get3A_46 = arith.constant 48 : index
      %get3A_47 = tpu.vector_load %arg7[%get3A_46] {strides = array<i32>} : memref<80xi32, #tpu.memory_space<vmem>>, vector<16xi32>,
      %get3A_48 = vector.shape_cast %get3A_47 : vector<16xi32> to vector<16xi32>
      %add3A_49 = vector.broadcast %mul3A_2 : i32 to vector<16xi32>
      %add3A_50 = arith.addi %get3A_48, %add3A_49 : vector<16xi32>
      %swap3A_51 = arith.constant 48 : index
      %swap3A_52 = tpu.vector_load %arg7[%swap3A_51] {strides = array<i32>} : memref<80xi32, #tpu.memory_space<vmem>>, vector<16xi32>,
      %swap3A_53 = vector.shape_cast %swap3A_52 : vector<16xi32> to vector<16xi32>
      %swap3A_54 = vector.shape_cast %add3A_50 : vector<16xi32> to vector<16xi32>
      tpu.vector_store %arg7[%swap3A_51], %swap3A_54 {strides = array<i32>} : memref<80xi32, #tpu.memory_space<vmem>>, vector<16xi32>,
      %get3A_55 = arith.constant 64 : index
      %get3A_56 = tpu.vector_load %arg7[%get3A_55] {strides = array<i32>} : memref<80xi32, #tpu.memory_space<vmem>>, vector<16xi32>,
      %get3A_57 = vector.shape_cast %get3A_56 : vector<16xi32> to vector<16xi32>
      %add3A_58 = vector.broadcast %mul3A_2 : i32 to vector<16xi32>
      %add3A_59 = arith.addi %get3A_57, %add3A_58 : vector<16xi32>
      %swap3A_60 = arith.constant 64 : index
      %swap3A_61 = tpu.vector_load %arg7[%swap3A_60] {strides = array<i32>} : memref<80xi32, #tpu.memory_space<vmem>>, vector<16xi32>,
      %swap3A_62 = vector.shape_cast %swap3A_61 : vector<16xi32> to vector<16xi32>
      %swap3A_63 = vector.shape_cast %add3A_59 : vector<16xi32> to vector<16xi32>
      tpu.vector_store %arg7[%swap3A_60], %swap3A_63 {strides = array<i32>} : memref<80xi32, #tpu.memory_space<vmem>>, vector<16xi32>,
      %dma_start3A = arith.constant 0 : i32
      %dma_start3A_64 = arith.constant 0 : i32
      %dma_start3A_65 = tpu.memref_slice %arg2[%dma_start3A, %dma_start3A_64] : memref<100000x32xf32, #tpu.memory_space<hbm>> -> memref<100000x32xf32, #tpu.memory_space<hbm>>
      tpu.enqueue_indirect_dma source(%dma_start3A_65 : memref<100000x32xf32, #tpu.memory_space<hbm>>) target(%arg9 : memref<80x32xf32, #tpu.memory_space<vmem>>) offsets(%arg7 : memref<80xi32, #tpu.memory_space<vmem>>) semaphore(%arg11 : memref<!tpu.dma_semaphore, #tpu.memory_space<semaphore_mem>>)
      %dma_wait3A = arith.constant 0 : i32
      %dma_wait3A_66 = arith.constant 0 : i32
      %dma_wait3A_67 = tpu.memref_slice %arg2[%dma_wait3A, %dma_wait3A_66] : memref<100000x32xf32, #tpu.memory_space<hbm>> -> memref<100000x32xf32, #tpu.memory_space<hbm>>
      tpu.wait_indirect_dma semaphore(%arg11 : memref<!tpu.dma_semaphore, #tpu.memory_space<semaphore_mem>>) src(%dma_wait3A_67 : memref<100000x32xf32, #tpu.memory_space<hbm>>) dst(%arg9 : memref<80x32xf32, #tpu.memory_space<vmem>>)
      "tpu.region"() ({
        %run_scoped3A = tpu.sem_alloc : memref<!tpu.dma_semaphore, #tpu.memory_space<semaphore_mem>>
        %dma_start3A_68 = arith.constant 0 : i32
        %dma_start3A_69 = arith.constant 0 : i32
        %dma_start3A_70 = tpu.memref_slice %arg10[%dma_start3A_68, %dma_start3A_69] : memref<50048x32xf32, #tpu.memory_space<vmem_shared>> -> memref<50048x32xf32, #tpu.memory_space<vmem_shared>>
        tpu.enqueue_indirect_dma source(%arg9 : memref<80x32xf32, #tpu.memory_space<vmem>>) target(%dma_start3A_70 : memref<50048x32xf32, #tpu.memory_space<vmem_shared>>) offsets(%arg8 : memref<80xi32, #tpu.memory_space<vmem>>) semaphore(%run_scoped3A : memref<!tpu.dma_semaphore, #tpu.memory_space<semaphore_mem>>) {add = true}
        %dma_wait3A_71 = arith.constant 0 : i32
        %dma_wait3A_72 = arith.constant 0 : i32
        %dma_wait3A_73 = tpu.memref_slice %arg10[%dma_wait3A_71, %dma_wait3A_72] : memref<50048x32xf32, #tpu.memory_space<vmem_shared>> -> memref<50048x32xf32, #tpu.memory_space<vmem_shared>>
        tpu.wait_indirect_dma semaphore(%run_scoped3A : memref<!tpu.dma_semaphore, #tpu.memory_space<semaphore_mem>>) src(%arg9 : memref<80x32xf32, #tpu.memory_space<vmem>>) dst(%dma_wait3A_73 : memref<50048x32xf32, #tpu.memory_space<vmem_shared>>)
        tpu.yield
      }) : () -> ()
    }
    %scan3A_7 = arith.constant 625 : i32
    %barrier3A_8 = arith.constant 0 : index
    tpu.barrier barrier_id(%barrier3A_8)
    %mul3A_9 = arith.constant 3128 : i32
    %mul3A_10 = arith.muli %arg1, %mul3A_9 : i32
    %mul3A_11 = arith.constant 50048 : i32
    %mul3A_12 = arith.muli %arg0, %mul3A_11 : i32
    %mul3A_13 = arith.constant 3128 : i32
    %mul3A_14 = arith.muli %arg1, %mul3A_13 : i32
    %add3A = arith.addi %mul3A_12, %mul3A_14 : i32
    "tpu.region"() ({
      %run_scoped3A = tpu.sem_alloc : memref<!tpu.dma_semaphore, #tpu.memory_space<semaphore_mem>>
      %dma_start3A = arith.constant 0 : i32
      %dma_start3A_15 = tpu.memref_slice %arg6[%add3A, %dma_start3A] : memref<100096x32xf32, #tpu.memory_space<hbm>> -> memref<3128x32xf32, #tpu.memory_space<hbm>>
      %dma_start3A_16 = arith.constant 0 : i32
      %dma_start3A_17 = tpu.memref_slice %arg10[%mul3A_10, %dma_start3A_16] : memref<50048x32xf32, #tpu.memory_space<vmem_shared>> -> memref<3128x32xf32, #tpu.memory_space<vmem_shared>>
      tpu.enqueue_dma source(%dma_start3A_17 : memref<3128x32xf32, #tpu.memory_space<vmem_shared>>) target(%dma_start3A_15 : memref<3128x32xf32, #tpu.memory_space<hbm>>) target_semaphore(%run_scoped3A : memref<!tpu.dma_semaphore, #tpu.memory_space<semaphore_mem>>)
      %dma_wait3A = arith.constant 0 : i32
      %dma_wait3A_18 = tpu.memref_slice %arg6[%add3A, %dma_wait3A] : memref<100096x32xf32, #tpu.memory_space<hbm>> -> memref<3128x32xf32, #tpu.memory_space<hbm>>
      %dma_wait3A_19 = arith.constant 0 : i32
      %dma_wait3A_20 = tpu.memref_slice %arg10[%mul3A_10, %dma_wait3A_19] : memref<50048x32xf32, #tpu.memory_space<vmem_shared>> -> memref<3128x32xf32, #tpu.memory_space<vmem_shared>>
      tpu.wait_dma2 semaphore(%run_scoped3A : memref<!tpu.dma_semaphore, #tpu.memory_space<semaphore_mem>>) src(%dma_wait3A_20 : memref<3128x32xf32, #tpu.memory_space<vmem_shared>>) dst(%dma_wait3A_18 : memref<3128x32xf32, #tpu.memory_space<hbm>>)
      tpu.yield
    }) : () -> ()
    return
  }
}

#map = affine_map<(d0, d1) -> (0, 0)>
#map1 = affine_map<(d0, d1) -> (0)>
module attributes {stable_mosaic.version = 14 : i64} {
  func.func @seg_sum(%arg0: i32, %arg1: i32, %arg2: memref<100000x32xf32, #tpu.memory_space<hbm>>, %arg3: memref<800000xi32, #tpu.memory_space<hbm>>, %arg4: memref<800000xi32, #tpu.memory_space<hbm>>, %arg5: memref<3128x32xf32, #tpu.memory_space<hbm>>, %arg6: memref<100096x32xf32, #tpu.memory_space<hbm>>, %arg7: memref<80xi32, #tpu.memory_space<vmem>>, %arg8: memref<80xi32, #tpu.memory_space<vmem>>, %arg9: memref<80x32xf32, #tpu.memory_space<vmem>>, %arg10: memref<50048x32xf32, #tpu.memory_space<vmem_shared>>, %arg11: memref<!tpu.dma_semaphore, #tpu.memory_space<semaphore_mem>>) attributes {dimension_semantics = [#tpu.dimension_semantics<core_parallel>, #tpu.dimension_semantics<subcore_parallel>], iteration_bounds = array<i64: 2, 16>, scalar_prefetch = 0 : i64, scratch_operands = 5 : i64, tpu.core_type = #tpu.core_type<sc_vector_subcore>, window_params = [{transform_indices = #map}, {transform_indices = #map1}, {transform_indices = #map1}, {transform_indices = #map}, {transform_indices = #map}]} {
    %mul3A = arith.constant 3128 : i32
    %mul3A_0 = arith.muli %arg1, %mul3A : i32
    "tpu.region"() ({
      %run_scoped3A = tpu.sem_alloc : memref<!tpu.dma_semaphore, #tpu.memory_space<semaphore_mem>>
      %dma_start3A = arith.constant 0 : i32
      %dma_start3A_15 = tpu.memref_slice %arg10[%mul3A_0, %dma_start3A] : memref<50048x32xf32, #tpu.memory_space<vmem_shared>> -> memref<3128x32xf32, #tpu.memory_space<vmem_shared>>
      tpu.enqueue_dma source(%arg5 : memref<3128x32xf32, #tpu.memory_space<hbm>>) target(%dma_start3A_15 : memref<3128x32xf32, #tpu.memory_space<vmem_shared>>) target_semaphore(%run_scoped3A : memref<!tpu.dma_semaphore, #tpu.memory_space<semaphore_mem>>)
      %dma_wait3A = arith.constant 0 : i32
      %dma_wait3A_16 = tpu.memref_slice %arg10[%mul3A_0, %dma_wait3A] : memref<50048x32xf32, #tpu.memory_space<vmem_shared>> -> memref<3128x32xf32, #tpu.memory_space<vmem_shared>>
      tpu.wait_dma2 semaphore(%run_scoped3A : memref<!tpu.dma_semaphore, #tpu.memory_space<semaphore_mem>>) src(%arg5 : memref<3128x32xf32, #tpu.memory_space<hbm>>) dst(%dma_wait3A_16 : memref<3128x32xf32, #tpu.memory_space<vmem_shared>>)
      tpu.yield
    }) : () -> ()
    %barrier3A = arith.constant 0 : index
    tpu.barrier barrier_id(%barrier3A)
    %mul3A_1 = arith.constant 50000 : i32
    %mul3A_2 = arith.muli %arg0, %mul3A_1 : i32
    %scan3A = arith.constant 0 : i32
    %scan3A_3 = arith.constant 0 : i32
    %scan3A_4 = arith.constant 625 : i32
    %scan3A_5 = arith.addi %scan3A_3, %scan3A_4 : i32
    %scan3A_6 = arith.constant 1 : i32
    scf.for %scan3A_15 = %scan3A_3 to %scan3A_5 step %scan3A_6  : i32 {
      %mul3A_16 = arith.constant 50000 : i32
      %mul3A_17 = arith.muli %arg1, %mul3A_16 : i32
      %mul3A_18 = arith.constant 80 : i32
      %mul3A_19 = arith.muli %scan3A_15, %mul3A_18 : i32
      %add3A_20 = arith.addi %mul3A_17, %mul3A_19 : i32
      "tpu.region"() ({
        %run_scoped3A = tpu.sem_alloc : memref<!tpu.dma_semaphore, #tpu.memory_space<semaphore_mem>>
        %dma_start3A_68 = tpu.memref_slice %arg3[%add3A_20] : memref<800000xi32, #tpu.memory_space<hbm>> -> memref<80xi32, #tpu.memory_space<hbm>>
        %dma_start3A_69 = tpu.memref_slice %arg3[%add3A_20] : memref<800000xi32, #tpu.memory_space<hbm>> -> memref<80xi32, #tpu.memory_space<hbm>>
        tpu.enqueue_dma source(%dma_start3A_69 : memref<80xi32, #tpu.memory_space<hbm>>) target(%arg7 : memref<80xi32, #tpu.memory_space<vmem>>) target_semaphore(%run_scoped3A : memref<!tpu.dma_semaphore, #tpu.memory_space<semaphore_mem>>)
        %dma_wait3A_70 = tpu.memref_slice %arg3[%add3A_20] : memref<800000xi32, #tpu.memory_space<hbm>> -> memref<80xi32, #tpu.memory_space<hbm>>
        %dma_wait3A_71 = tpu.memref_slice %arg3[%add3A_20] : memref<800000xi32, #tpu.memory_space<hbm>> -> memref<80xi32, #tpu.memory_space<hbm>>
        tpu.wait_dma2 semaphore(%run_scoped3A : memref<!tpu.dma_semaphore, #tpu.memory_space<semaphore_mem>>) src(%dma_wait3A_71 : memref<80xi32, #tpu.memory_space<hbm>>) dst(%arg7 : memref<80xi32, #tpu.memory_space<vmem>>)
        tpu.yield
      }) : () -> ()
      "tpu.region"() ({
        %run_scoped3A = tpu.sem_alloc : memref<!tpu.dma_semaphore, #tpu.memory_space<semaphore_mem>>
        %dma_start3A_68 = tpu.memref_slice %arg4[%add3A_20] : memref<800000xi32, #tpu.memory_space<hbm>> -> memref<80xi32, #tpu.memory_space<hbm>>
        %dma_start3A_69 = tpu.memref_slice %arg4[%add3A_20] : memref<800000xi32, #tpu.memory_space<hbm>> -> memref<80xi32, #tpu.memory_space<hbm>>
        tpu.enqueue_dma source(%dma_start3A_69 : memref<80xi32, #tpu.memory_space<hbm>>) target(%arg8 : memref<80xi32, #tpu.memory_space<vmem>>) target_semaphore(%run_scoped3A : memref<!tpu.dma_semaphore, #tpu.memory_space<semaphore_mem>>)
        %dma_wait3A_70 = tpu.memref_slice %arg4[%add3A_20] : memref<800000xi32, #tpu.memory_space<hbm>> -> memref<80xi32, #tpu.memory_space<hbm>>
        %dma_wait3A_71 = tpu.memref_slice %arg4[%add3A_20] : memref<800000xi32, #tpu.memory_space<hbm>> -> memref<80xi32, #tpu.memory_space<hbm>>
        tpu.wait_dma2 semaphore(%run_scoped3A : memref<!tpu.dma_semaphore, #tpu.memory_space<semaphore_mem>>) src(%dma_wait3A_71 : memref<80xi32, #tpu.memory_space<hbm>>) dst(%arg8 : memref<80xi32, #tpu.memory_space<vmem>>)
        tpu.yield
      }) : () -> ()
      %get3A = arith.constant 0 : index
      %get3A_21 = tpu.vector_load %arg7[%get3A] {strides = array<i32>} : memref<80xi32, #tpu.memory_space<vmem>>, vector<16xi32>,
      %get3A_22 = vector.shape_cast %get3A_21 : vector<16xi32> to vector<16xi32>
      %add3A_23 = vector.broadcast %mul3A_2 : i32 to vector<16xi32>
      %add3A_24 = arith.addi %get3A_22, %add3A_23 : vector<16xi32>
      %swap3A = arith.constant 0 : index
      %swap3A_25 = tpu.vector_load %arg7[%swap3A] {strides = array<i32>} : memref<80xi32, #tpu.memory_space<vmem>>, vector<16xi32>,
      %swap3A_26 = vector.shape_cast %swap3A_25 : vector<16xi32> to vector<16xi32>
      %swap3A_27 = vector.shape_cast %add3A_24 : vector<16xi32> to vector<16xi32>
      tpu.vector_store %arg7[%swap3A], %swap3A_27 {strides = array<i32>} : memref<80xi32, #tpu.memory_space<vmem>>, vector<16xi32>,
      %get3A_28 = arith.constant 16 : index
      %get3A_29 = tpu.vector_load %arg7[%get3A_28] {strides = array<i32>} : memref<80xi32, #tpu.memory_space<vmem>>, vector<16xi32>,
      %get3A_30 = vector.shape_cast %get3A_29 : vector<16xi32> to vector<16xi32>
      %add3A_31 = vector.broadcast %mul3A_2 : i32 to vector<16xi32>
      %add3A_32 = arith.addi %get3A_30, %add3A_31 : vector<16xi32>
      %swap3A_33 = arith.constant 16 : index
      %swap3A_34 = tpu.vector_load %arg7[%swap3A_33] {strides = array<i32>} : memref<80xi32, #tpu.memory_space<vmem>>, vector<16xi32>,
      %swap3A_35 = vector.shape_cast %swap3A_34 : vector<16xi32> to vector<16xi32>
      %swap3A_36 = vector.shape_cast %add3A_32 : vector<16xi32> to vector<16xi32>
      tpu.vector_store %arg7[%swap3A_33], %swap3A_36 {strides = array<i32>} : memref<80xi32, #tpu.memory_space<vmem>>, vector<16xi32>,
      %get3A_37 = arith.constant 32 : index
      %get3A_38 = tpu.vector_load %arg7[%get3A_37] {strides = array<i32>} : memref<80xi32, #tpu.memory_space<vmem>>, vector<16xi32>,
      %get3A_39 = vector.shape_cast %get3A_38 : vector<16xi32> to vector<16xi32>
      %add3A_40 = vector.broadcast %mul3A_2 : i32 to vector<16xi32>
      %add3A_41 = arith.addi %get3A_39, %add3A_40 : vector<16xi32>
      %swap3A_42 = arith.constant 32 : index
      %swap3A_43 = tpu.vector_load %arg7[%swap3A_42] {strides = array<i32>} : memref<80xi32, #tpu.memory_space<vmem>>, vector<16xi32>,
      %swap3A_44 = vector.shape_cast %swap3A_43 : vector<16xi32> to vector<16xi32>
      %swap3A_45 = vector.shape_cast %add3A_41 : vector<16xi32> to vector<16xi32>
      tpu.vector_store %arg7[%swap3A_42], %swap3A_45 {strides = array<i32>} : memref<80xi32, #tpu.memory_space<vmem>>, vector<16xi32>,
      %get3A_46 = arith.constant 48 : index
      %get3A_47 = tpu.vector_load %arg7[%get3A_46] {strides = array<i32>} : memref<80xi32, #tpu.memory_space<vmem>>, vector<16xi32>,
      %get3A_48 = vector.shape_cast %get3A_47 : vector<16xi32> to vector<16xi32>
      %add3A_49 = vector.broadcast %mul3A_2 : i32 to vector<16xi32>
      %add3A_50 = arith.addi %get3A_48, %add3A_49 : vector<16xi32>
      %swap3A_51 = arith.constant 48 : index
      %swap3A_52 = tpu.vector_load %arg7[%swap3A_51] {strides = array<i32>} : memref<80xi32, #tpu.memory_space<vmem>>, vector<16xi32>,
      %swap3A_53 = vector.shape_cast %swap3A_52 : vector<16xi32> to vector<16xi32>
      %swap3A_54 = vector.shape_cast %add3A_50 : vector<16xi32> to vector<16xi32>
      tpu.vector_store %arg7[%swap3A_51], %swap3A_54 {strides = array<i32>} : memref<80xi32, #tpu.memory_space<vmem>>, vector<16xi32>,
      %get3A_55 = arith.constant 64 : index
      %get3A_56 = tpu.vector_load %arg7[%get3A_55] {strides = array<i32>} : memref<80xi32, #tpu.memory_space<vmem>>, vector<16xi32>,
      %get3A_57 = vector.shape_cast %get3A_56 : vector<16xi32> to vector<16xi32>
      %add3A_58 = vector.broadcast %mul3A_2 : i32 to vector<16xi32>
      %add3A_59 = arith.addi %get3A_57, %add3A_58 : vector<16xi32>
      %swap3A_60 = arith.constant 64 : index
      %swap3A_61 = tpu.vector_load %arg7[%swap3A_60] {strides = array<i32>} : memref<80xi32, #tpu.memory_space<vmem>>, vector<16xi32>,
      %swap3A_62 = vector.shape_cast %swap3A_61 : vector<16xi32> to vector<16xi32>
      %swap3A_63 = vector.shape_cast %add3A_59 : vector<16xi32> to vector<16xi32>
      tpu.vector_store %arg7[%swap3A_60], %swap3A_63 {strides = array<i32>} : memref<80xi32, #tpu.memory_space<vmem>>, vector<16xi32>,
      %dma_start3A = arith.constant 0 : i32
      %dma_start3A_64 = arith.constant 0 : i32
      %dma_start3A_65 = tpu.memref_slice %arg2[%dma_start3A, %dma_start3A_64] : memref<100000x32xf32, #tpu.memory_space<hbm>> -> memref<100000x32xf32, #tpu.memory_space<hbm>>
      tpu.enqueue_indirect_dma source(%dma_start3A_65 : memref<100000x32xf32, #tpu.memory_space<hbm>>) target(%arg9 : memref<80x32xf32, #tpu.memory_space<vmem>>) offsets(%arg7 : memref<80xi32, #tpu.memory_space<vmem>>) semaphore(%arg11 : memref<!tpu.dma_semaphore, #tpu.memory_space<semaphore_mem>>)
      %dma_wait3A = arith.constant 0 : i32
      %dma_wait3A_66 = arith.constant 0 : i32
      %dma_wait3A_67 = tpu.memref_slice %arg2[%dma_wait3A, %dma_wait3A_66] : memref<100000x32xf32, #tpu.memory_space<hbm>> -> memref<100000x32xf32, #tpu.memory_space<hbm>>
      tpu.wait_indirect_dma semaphore(%arg11 : memref<!tpu.dma_semaphore, #tpu.memory_space<semaphore_mem>>) src(%dma_wait3A_67 : memref<100000x32xf32, #tpu.memory_space<hbm>>) dst(%arg9 : memref<80x32xf32, #tpu.memory_space<vmem>>)
      "tpu.region"() ({
        %run_scoped3A = tpu.sem_alloc : memref<!tpu.dma_semaphore, #tpu.memory_space<semaphore_mem>>
        %dma_start3A_68 = arith.constant 0 : i32
        %dma_start3A_69 = arith.constant 0 : i32
        %dma_start3A_70 = tpu.memref_slice %arg10[%dma_start3A_68, %dma_start3A_69] : memref<50048x32xf32, #tpu.memory_space<vmem_shared>> -> memref<50048x32xf32, #tpu.memory_space<vmem_shared>>
        tpu.enqueue_indirect_dma source(%arg9 : memref<80x32xf32, #tpu.memory_space<vmem>>) target(%dma_start3A_70 : memref<50048x32xf32, #tpu.memory_space<vmem_shared>>) offsets(%arg8 : memref<80xi32, #tpu.memory_space<vmem>>) semaphore(%run_scoped3A : memref<!tpu.dma_semaphore, #tpu.memory_space<semaphore_mem>>) {add = true}
        %dma_wait3A_71 = arith.constant 0 : i32
        %dma_wait3A_72 = arith.constant 0 : i32
        %dma_wait3A_73 = tpu.memref_slice %arg10[%dma_wait3A_71, %dma_wait3A_72] : memref<50048x32xf32, #tpu.memory_space<vmem_shared>> -> memref<50048x32xf32, #tpu.memory_space<vmem_shared>>
        tpu.wait_indirect_dma semaphore(%run_scoped3A : memref<!tpu.dma_semaphore, #tpu.memory_space<semaphore_mem>>) src(%arg9 : memref<80x32xf32, #tpu.memory_space<vmem>>) dst(%dma_wait3A_73 : memref<50048x32xf32, #tpu.memory_space<vmem_shared>>)
        tpu.yield
      }) : () -> ()
    }
    %scan3A_7 = arith.constant 625 : i32
    %barrier3A_8 = arith.constant 0 : index
    tpu.barrier barrier_id(%barrier3A_8)
    %mul3A_9 = arith.constant 3128 : i32
    %mul3A_10 = arith.muli %arg1, %mul3A_9 : i32
    %mul3A_11 = arith.constant 50048 : i32
    %mul3A_12 = arith.muli %arg0, %mul3A_11 : i32
    %mul3A_13 = arith.constant 3128 : i32
    %mul3A_14 = arith.muli %arg1, %mul3A_13 : i32
    %add3A = arith.addi %mul3A_12, %mul3A_14 : i32
    "tpu.region"() ({
      %run_scoped3A = tpu.sem_alloc : memref<!tpu.dma_semaphore, #tpu.memory_space<semaphore_mem>>
      %dma_start3A = arith.constant 0 : i32
      %dma_start3A_15 = tpu.memref_slice %arg6[%add3A, %dma_start3A] : memref<100096x32xf32, #tpu.memory_space<hbm>> -> memref<3128x32xf32, #tpu.memory_space<hbm>>
      %dma_start3A_16 = arith.constant 0 : i32
      %dma_start3A_17 = tpu.memref_slice %arg10[%mul3A_10, %dma_start3A_16] : memref<50048x32xf32, #tpu.memory_space<vmem_shared>> -> memref<3128x32xf32, #tpu.memory_space<vmem_shared>>
      tpu.enqueue_dma source(%dma_start3A_17 : memref<3128x32xf32, #tpu.memory_space<vmem_shared>>) target(%dma_start3A_15 : memref<3128x32xf32, #tpu.memory_space<hbm>>) target_semaphore(%run_scoped3A : memref<!tpu.dma_semaphore, #tpu.memory_space<semaphore_mem>>)
      %dma_wait3A = arith.constant 0 : i32
      %dma_wait3A_18 = tpu.memref_slice %arg6[%add3A, %dma_wait3A] : memref<100096x32xf32, #tpu.memory_space<hbm>> -> memref<3128x32xf32, #tpu.memory_space<hbm>>
      %dma_wait3A_19 = arith.constant 0 : i32
      %dma_wait3A_20 = tpu.memref_slice %arg10[%mul3A_10, %dma_wait3A_19] : memref<50048x32xf32, #tpu.memory_space<vmem_shared>> -> memref<3128x32xf32, #tpu.memory_space<vmem_shared>>
      tpu.wait_dma2 semaphore(%run_scoped3A : memref<!tpu.dma_semaphore, #tpu.memory_space<semaphore_mem>>) src(%dma_wait3A_20 : memref<3128x32xf32, #tpu.memory_space<vmem_shared>>) dst(%dma_wait3A_18 : memref<3128x32xf32, #tpu.memory_space<hbm>>)
      tpu.yield
    }) : () -> ()
    return
  }
}

module attributes {stable_mosaic.version = 14 : i64} {
  func.func @body(%arg0: i32, %arg1: memref<2000x64xf32, #tpu.memory_space<vmem>>, %arg2: memref<2000x32xf32, #tpu.memory_space<vmem>>, %arg3: memref<2000x32xf32, #tpu.memory_space<vmem>>, %arg4: memref<64x64xf32, #tpu.memory_space<vmem>>, %arg5: memref<1x64xf32, #tpu.memory_space<vmem>>, %arg6: memref<64x64xf32, #tpu.memory_space<vmem>>, %arg7: memref<1x64xf32, #tpu.memory_space<vmem>>, %arg8: memref<2000x64xf32, #tpu.memory_space<vmem>>, %arg9: memref<2x2000x32xf32, #tpu.memory_space<vmem>>) attributes {dimension_semantics = [#tpu.dimension_semantics<arbitrary>], iteration_bounds = array<i64: 25>, scalar_prefetch = 0 : i64, scratch_operands = 0 : i64, tpu.core_type = #tpu.core_type<tc>, window_params = [{transform_indices = @transform_0, window_bounds = array<i64: 2000, 64>}, {transform_indices = @transform_1, window_bounds = array<i64: 2000, 32>}, {transform_indices = @transform_2, window_bounds = array<i64: 2000, 32>}, {pipeline_mode = #tpu.pipeline_mode<synchronous>, transform_indices = @transform_3, window_bounds = array<i64: 64, 64>}, {pipeline_mode = #tpu.pipeline_mode<synchronous>, transform_indices = @transform_4, window_bounds = array<i64: 1, 64>}, {pipeline_mode = #tpu.pipeline_mode<synchronous>, transform_indices = @transform_5, window_bounds = array<i64: 64, 64>}, {pipeline_mode = #tpu.pipeline_mode<synchronous>, transform_indices = @transform_6, window_bounds = array<i64: 1, 64>}, {transform_indices = @transform_7, window_bounds = array<i64: 2000, 64>}, {transform_indices = @transform_8, window_bounds = array<i64: 2, 2000, 32>}]} {
    %get3A = arith.constant 0 : index
    %get3A_0 = arith.constant 0 : index
    %get3A_1 = vector.load %arg1[%get3A, %get3A_0] : memref<2000x64xf32, #tpu.memory_space<vmem>>, vector<2000x64xf32>
    %get3A_2 = arith.constant 0 : index
    %get3A_3 = arith.constant 0 : index
    %get3A_4 = vector.load %arg2[%get3A_2, %get3A_3] : memref<2000x32xf32, #tpu.memory_space<vmem>>, vector<2000x32xf32>
    %get3A_5 = arith.constant 0 : index
    %get3A_6 = arith.constant 0 : index
    %get3A_7 = vector.load %arg3[%get3A_5, %get3A_6] : memref<2000x32xf32, #tpu.memory_space<vmem>>, vector<2000x32xf32>
    %concatenate3A = tpu.concatenate %get3A_4, %get3A_7 in 1 : vector<2000x32xf32>, vector<2000x32xf32> -> vector<2000x64xf32>
    %add3A = arith.addf %get3A_1, %concatenate3A : vector<2000x64xf32>
    %get3A_8 = arith.constant 0 : index
    %get3A_9 = arith.constant 0 : index
    %get3A_10 = vector.load %arg4[%get3A_8, %get3A_9] : memref<64x64xf32, #tpu.memory_space<vmem>>, vector<64x64xf32>
    %dot_general3A = arith.constant dense<0.000000e+00> : vector<2000x64xf32>
    %dot_general3A_11 = tpu.matmul %add3A, %get3A_10, %dot_general3A {dimension_numbers = #tpu.dot_dimension_numbers<[1], [0], [0], [1], [0, 0, 1, 1], [], []>, transpose_lhs_hint = false} : vector<2000x64xf32>, vector<64x64xf32>, vector<2000x64xf32> -> vector<2000x64xf32>
    %get3A_12 = arith.constant 0 : index
    %get3A_13 = arith.constant 0 : index
    %get3A_14 = vector.load %arg5[%get3A_12, %get3A_13] : memref<1x64xf32, #tpu.memory_space<vmem>>, vector<1x64xf32>
    %add3A_15 = vector.broadcast %get3A_14 : vector<1x64xf32> to vector<2000x64xf32>
    %add3A_16 = arith.addf %dot_general3A_11, %add3A_15 : vector<2000x64xf32>
    %max3A = arith.constant 0.000000e+00 : f32
    %max3A_17 = vector.broadcast %max3A : f32 to vector<2000x64xf32>
    %max3A_18 = arith.maximumf %add3A_16, %max3A_17 : vector<2000x64xf32>
    %get3A_19 = arith.constant 0 : index
    %get3A_20 = arith.constant 0 : index
    %get3A_21 = vector.load %arg6[%get3A_19, %get3A_20] : memref<64x64xf32, #tpu.memory_space<vmem>>, vector<64x64xf32>
    %dot_general3A_22 = arith.constant dense<0.000000e+00> : vector<2000x64xf32>
    %dot_general3A_23 = tpu.matmul %max3A_18, %get3A_21, %dot_general3A_22 {dimension_numbers = #tpu.dot_dimension_numbers<[1], [0], [0], [1], [0, 0, 1, 1], [], []>, transpose_lhs_hint = false} : vector<2000x64xf32>, vector<64x64xf32>, vector<2000x64xf32> -> vector<2000x64xf32>
    %get3A_24 = arith.constant 0 : index
    %get3A_25 = arith.constant 0 : index
    %get3A_26 = vector.load %arg7[%get3A_24, %get3A_25] : memref<1x64xf32, #tpu.memory_space<vmem>>, vector<1x64xf32>
    %add3A_27 = vector.broadcast %get3A_26 : vector<1x64xf32> to vector<2000x64xf32>
    %add3A_28 = arith.addf %dot_general3A_23, %add3A_27 : vector<2000x64xf32>
    %max3A_29 = arith.constant 0.000000e+00 : f32
    %max3A_30 = vector.broadcast %max3A_29 : f32 to vector<2000x64xf32>
    %max3A_31 = arith.maximumf %add3A_28, %max3A_30 : vector<2000x64xf32>
    %swap3A = arith.constant 0 : index
    %swap3A_32 = arith.constant 0 : index
    %swap3A_33 = vector.load %arg8[%swap3A, %swap3A_32] : memref<2000x64xf32, #tpu.memory_space<vmem>>, vector<2000x64xf32>
    tpu.vector_store %arg8[%swap3A, %swap3A_32], %max3A_31 {strides = array<i32>} : memref<2000x64xf32, #tpu.memory_space<vmem>>, vector<2000x64xf32>,
    %slice3A = vector.extract_strided_slice %max3A_31 {offsets = [0, 0], sizes = [2000, 32], strides = [1, 1]} : vector<2000x64xf32> to vector<2000x32xf32>
    %swap3A_34 = arith.constant 0 : index
    %swap3A_35 = arith.constant 0 : index
    %swap3A_36 = arith.constant 0 : index
    %swap3A_37 = vector.load %arg9[%swap3A_34, %swap3A_35, %swap3A_36] : memref<2x2000x32xf32, #tpu.memory_space<vmem>>, vector<1x2000x32xf32>
    %swap3A_38 = vector.shape_cast %swap3A_37 : vector<1x2000x32xf32> to vector<2000x32xf32>
    %swap3A_39 = vector.shape_cast %slice3A : vector<2000x32xf32> to vector<1x2000x32xf32>
    tpu.vector_store %arg9[%swap3A_34, %swap3A_35, %swap3A_36], %swap3A_39 {strides = array<i32>} : memref<2x2000x32xf32, #tpu.memory_space<vmem>>, vector<1x2000x32xf32>,
    %slice3A_40 = vector.extract_strided_slice %max3A_31 {offsets = [0, 32], sizes = [2000, 32], strides = [1, 1]} : vector<2000x64xf32> to vector<2000x32xf32>
    %swap3A_41 = arith.constant 1 : index
    %swap3A_42 = arith.constant 0 : index
    %swap3A_43 = arith.constant 0 : index
    %swap3A_44 = vector.load %arg9[%swap3A_41, %swap3A_42, %swap3A_43] : memref<2x2000x32xf32, #tpu.memory_space<vmem>>, vector<1x2000x32xf32>
    %swap3A_45 = vector.shape_cast %swap3A_44 : vector<1x2000x32xf32> to vector<2000x32xf32>
    %swap3A_46 = vector.shape_cast %slice3A_40 : vector<2000x32xf32> to vector<1x2000x32xf32>
    tpu.vector_store %arg9[%swap3A_41, %swap3A_42, %swap3A_43], %swap3A_46 {strides = array<i32>} : memref<2x2000x32xf32, #tpu.memory_space<vmem>>, vector<1x2000x32xf32>,
    return
  }
  func.func @transform_0(%arg0: i32) -> (i32, i32) {
    %c0_i32 = arith.constant 0 : i32
    %c0_i32_0 = arith.constant 0 : i32
    return %arg0, %c0_i32 : i32, i32
  }
  func.func @transform_1(%arg0: i32) -> (i32, i32) {
    %c0_i32 = arith.constant 0 : i32
    %c0_i32_0 = arith.constant 0 : i32
    return %arg0, %c0_i32 : i32, i32
  }
  func.func @transform_2(%arg0: i32) -> (i32, i32) {
    %c0_i32 = arith.constant 0 : i32
    %c0_i32_0 = arith.constant 0 : i32
    return %arg0, %c0_i32 : i32, i32
  }
  func.func @transform_3(%arg0: i32) -> (i32, i32) {
    %c0_i32 = arith.constant 0 : i32
    %c0_i32_0 = arith.constant 0 : i32
    %c0_i32_1 = arith.constant 0 : i32
    return %c0_i32, %c0_i32_0 : i32, i32
  }
  func.func @transform_4(%arg0: i32) -> (i32, i32) {
    %c0_i32 = arith.constant 0 : i32
    %c0_i32_0 = arith.constant 0 : i32
    %c0_i32_1 = arith.constant 0 : i32
    return %c0_i32, %c0_i32_0 : i32, i32
  }
  func.func @transform_5(%arg0: i32) -> (i32, i32) {
    %c0_i32 = arith.constant 0 : i32
    %c0_i32_0 = arith.constant 0 : i32
    %c0_i32_1 = arith.constant 0 : i32
    return %c0_i32, %c0_i32_0 : i32, i32
  }
  func.func @transform_6(%arg0: i32) -> (i32, i32) {
    %c0_i32 = arith.constant 0 : i32
    %c0_i32_0 = arith.constant 0 : i32
    %c0_i32_1 = arith.constant 0 : i32
    return %c0_i32, %c0_i32_0 : i32, i32
  }
  func.func @transform_7(%arg0: i32) -> (i32, i32) {
    %c0_i32 = arith.constant 0 : i32
    %c0_i32_0 = arith.constant 0 : i32
    return %arg0, %c0_i32 : i32, i32
  }
  func.func @transform_8(%arg0: i32) -> (i32, i32, i32) {
    %c0_i32 = arith.constant 0 : i32
    %c0_i32_0 = arith.constant 0 : i32
    %c0_i32_1 = arith.constant 0 : i32
    return %c0_i32, %arg0, %c0_i32_0 : i32, i32, i32
  }
}

module attributes {stable_mosaic.version = 14 : i64} {
  func.func @body(%arg0: i32, %arg1: memref<2000x64xf32, #tpu.memory_space<vmem>>, %arg2: memref<2000x32xf32, #tpu.memory_space<vmem>>, %arg3: memref<2000x32xf32, #tpu.memory_space<vmem>>, %arg4: memref<64x64xf32, #tpu.memory_space<vmem>>, %arg5: memref<1x64xf32, #tpu.memory_space<vmem>>, %arg6: memref<64x64xf32, #tpu.memory_space<vmem>>, %arg7: memref<1x64xf32, #tpu.memory_space<vmem>>, %arg8: memref<2000x64xf32, #tpu.memory_space<vmem>>) attributes {dimension_semantics = [#tpu.dimension_semantics<arbitrary>], iteration_bounds = array<i64: 25>, scalar_prefetch = 0 : i64, scratch_operands = 0 : i64, tpu.core_type = #tpu.core_type<tc>, window_params = [{transform_indices = @transform_0, window_bounds = array<i64: 2000, 64>}, {transform_indices = @transform_1, window_bounds = array<i64: 2000, 32>}, {transform_indices = @transform_2, window_bounds = array<i64: 2000, 32>}, {pipeline_mode = #tpu.pipeline_mode<synchronous>, transform_indices = @transform_3, window_bounds = array<i64: 64, 64>}, {pipeline_mode = #tpu.pipeline_mode<synchronous>, transform_indices = @transform_4, window_bounds = array<i64: 1, 64>}, {pipeline_mode = #tpu.pipeline_mode<synchronous>, transform_indices = @transform_5, window_bounds = array<i64: 64, 64>}, {pipeline_mode = #tpu.pipeline_mode<synchronous>, transform_indices = @transform_6, window_bounds = array<i64: 1, 64>}, {transform_indices = @transform_7, window_bounds = array<i64: 2000, 64>}]} {
    %get3A = arith.constant 0 : index
    %get3A_0 = arith.constant 0 : index
    %get3A_1 = vector.load %arg1[%get3A, %get3A_0] : memref<2000x64xf32, #tpu.memory_space<vmem>>, vector<2000x64xf32>
    %get3A_2 = arith.constant 0 : index
    %get3A_3 = arith.constant 0 : index
    %get3A_4 = vector.load %arg2[%get3A_2, %get3A_3] : memref<2000x32xf32, #tpu.memory_space<vmem>>, vector<2000x32xf32>
    %get3A_5 = arith.constant 0 : index
    %get3A_6 = arith.constant 0 : index
    %get3A_7 = vector.load %arg3[%get3A_5, %get3A_6] : memref<2000x32xf32, #tpu.memory_space<vmem>>, vector<2000x32xf32>
    %concatenate3A = tpu.concatenate %get3A_4, %get3A_7 in 1 : vector<2000x32xf32>, vector<2000x32xf32> -> vector<2000x64xf32>
    %add3A = arith.addf %get3A_1, %concatenate3A : vector<2000x64xf32>
    %get3A_8 = arith.constant 0 : index
    %get3A_9 = arith.constant 0 : index
    %get3A_10 = vector.load %arg4[%get3A_8, %get3A_9] : memref<64x64xf32, #tpu.memory_space<vmem>>, vector<64x64xf32>
    %dot_general3A = arith.constant dense<0.000000e+00> : vector<2000x64xf32>
    %dot_general3A_11 = tpu.matmul %add3A, %get3A_10, %dot_general3A {dimension_numbers = #tpu.dot_dimension_numbers<[1], [0], [0], [1], [0, 0, 1, 1], [], []>, transpose_lhs_hint = false} : vector<2000x64xf32>, vector<64x64xf32>, vector<2000x64xf32> -> vector<2000x64xf32>
    %get3A_12 = arith.constant 0 : index
    %get3A_13 = arith.constant 0 : index
    %get3A_14 = vector.load %arg5[%get3A_12, %get3A_13] : memref<1x64xf32, #tpu.memory_space<vmem>>, vector<1x64xf32>
    %add3A_15 = vector.broadcast %get3A_14 : vector<1x64xf32> to vector<2000x64xf32>
    %add3A_16 = arith.addf %dot_general3A_11, %add3A_15 : vector<2000x64xf32>
    %max3A = arith.constant 0.000000e+00 : f32
    %max3A_17 = vector.broadcast %max3A : f32 to vector<2000x64xf32>
    %max3A_18 = arith.maximumf %add3A_16, %max3A_17 : vector<2000x64xf32>
    %get3A_19 = arith.constant 0 : index
    %get3A_20 = arith.constant 0 : index
    %get3A_21 = vector.load %arg6[%get3A_19, %get3A_20] : memref<64x64xf32, #tpu.memory_space<vmem>>, vector<64x64xf32>
    %dot_general3A_22 = arith.constant dense<0.000000e+00> : vector<2000x64xf32>
    %dot_general3A_23 = tpu.matmul %max3A_18, %get3A_21, %dot_general3A_22 {dimension_numbers = #tpu.dot_dimension_numbers<[1], [0], [0], [1], [0, 0, 1, 1], [], []>, transpose_lhs_hint = false} : vector<2000x64xf32>, vector<64x64xf32>, vector<2000x64xf32> -> vector<2000x64xf32>
    %get3A_24 = arith.constant 0 : index
    %get3A_25 = arith.constant 0 : index
    %get3A_26 = vector.load %arg7[%get3A_24, %get3A_25] : memref<1x64xf32, #tpu.memory_space<vmem>>, vector<1x64xf32>
    %add3A_27 = vector.broadcast %get3A_26 : vector<1x64xf32> to vector<2000x64xf32>
    %add3A_28 = arith.addf %dot_general3A_23, %add3A_27 : vector<2000x64xf32>
    %swap3A = arith.constant 0 : index
    %swap3A_29 = arith.constant 0 : index
    %swap3A_30 = vector.load %arg8[%swap3A, %swap3A_29] : memref<2000x64xf32, #tpu.memory_space<vmem>>, vector<2000x64xf32>
    tpu.vector_store %arg8[%swap3A, %swap3A_29], %add3A_28 {strides = array<i32>} : memref<2000x64xf32, #tpu.memory_space<vmem>>, vector<2000x64xf32>,
    return
  }
  func.func @transform_0(%arg0: i32) -> (i32, i32) {
    %c0_i32 = arith.constant 0 : i32
    %c0_i32_0 = arith.constant 0 : i32
    return %arg0, %c0_i32 : i32, i32
  }
  func.func @transform_1(%arg0: i32) -> (i32, i32) {
    %c0_i32 = arith.constant 0 : i32
    %c0_i32_0 = arith.constant 0 : i32
    return %arg0, %c0_i32 : i32, i32
  }
  func.func @transform_2(%arg0: i32) -> (i32, i32) {
    %c0_i32 = arith.constant 0 : i32
    %c0_i32_0 = arith.constant 0 : i32
    return %arg0, %c0_i32 : i32, i32
  }
  func.func @transform_3(%arg0: i32) -> (i32, i32) {
    %c0_i32 = arith.constant 0 : i32
    %c0_i32_0 = arith.constant 0 : i32
    %c0_i32_1 = arith.constant 0 : i32
    return %c0_i32, %c0_i32_0 : i32, i32
  }
  func.func @transform_4(%arg0: i32) -> (i32, i32) {
    %c0_i32 = arith.constant 0 : i32
    %c0_i32_0 = arith.constant 0 : i32
    %c0_i32_1 = arith.constant 0 : i32
    return %c0_i32, %c0_i32_0 : i32, i32
  }
  func.func @transform_5(%arg0: i32) -> (i32, i32) {
    %c0_i32 = arith.constant 0 : i32
    %c0_i32_0 = arith.constant 0 : i32
    %c0_i32_1 = arith.constant 0 : i32
    return %c0_i32, %c0_i32_0 : i32, i32
  }
  func.func @transform_6(%arg0: i32) -> (i32, i32) {
    %c0_i32 = arith.constant 0 : i32
    %c0_i32_0 = arith.constant 0 : i32
    %c0_i32_1 = arith.constant 0 : i32
    return %c0_i32, %c0_i32_0 : i32, i32
  }
  func.func @transform_7(%arg0: i32) -> (i32, i32) {
    %c0_i32 = arith.constant 0 : i32
    %c0_i32_0 = arith.constant 0 : i32
    return %arg0, %c0_i32 : i32, i32
  }
}

</mosaic_0001>

<sc_bundles>
// kernel: kernel.6.cloned.1.call-start
scs
__scs_entry_jumppad:
0x0: {  	(pc) =	sbr.rel $0x88, $3  }
0x1: {  	(tag) =	ssettag $0x0;
	lr =	simm.s32 $0x1  }
0x2: {  	[smem:$0x3F9B] =	sst lr;
	_ =	strace $0xD0000000  }
0x3: {  	_ = 	snop  }
0x4: {  	_ = 	snop  }
0x5: {  	_ = 	snop  }
0x6: {  	_ = 	snop  }
0x7: {  	_ = 	snop  }
__scs_overlays_trampoline_lowered:
0x8: {  	[smem:$0x3FAA] =	sst s0  }
0x9: {  	[smem:$0x3FAB] =	sst s1  }
0xa: {  	[smem:$0x3FAC] =	sst s2  }
0xb: {  	[smem:$0x3FAD] =	sst s3  }
0xc: {  	[smem:$0x3FAE] =	sst s4  }
0xd: {  	[smem:$0x3FAF] =	sst s5  }
0xe: {  	[smem:$0x3FB0] =	sst s6  }
0xf: {  	[smem:$0x3FB1] =	sst s7  }
0x10: {  	[smem:$0x3FB2] =	sst s8  }
0x11: {  	[smem:$0x3FB3] =	sst s9;
	s0 =	simm.s32 @!p0 $0x0  }
0x12: {  	s1 =	sld [smem:$0x3F99];
	s0 =	simm.s32 @p0 $0x1  }
0x13: {  	[smem:$0x3FB4] =	sst s0;
	s0 =	simm.s32 @!p1 $0x0  }
0x14: {  	s2 =	sld [smem:$0x3F98];
	s0 =	simm.s32 @p1 $0x1  }
0x15: {  	[smem:$0x3FB5] =	sst s0;
	s0 =	simm.s32 @!p2 $0x0  }
0x16: {  	s3 =	sld [smem:$0x3FDB];
	s0 =	simm.s32 @p2 $0x1  }
0x17: {  	s4 =	simm.s32 $0x1BF5;
	[smem:$0x3FB7] =	sst s0  }
0x18: {  	s0 =	sld [smem:$0x3F9A];
	_ =	swait.ge [sflag:s4], $0x0  }
0x19: {  	s7 =	sld [smem:$0x3F9B]  }
0x1a: {  	s8 =	sadd.s32 $0xFFFFE003, lr  }
0x1b: {  	s9 =	sadd.s32 $0xFFFFFEF7, lr;
	s5 =	simm.s32 $0xFFFFFFFF;
	p2 =	slt.u32 s8, $0xFFFFF086  }
0x1c: {  	p1 =	slt.u32 s9, $0xF7A;
	s5 =	simm.s32 @!p2 $0x0  }
0x1d: {  	s5 =	simm.s32 @p1 $0x1;
	p0 =	seq.s32 s7, s2  }
0x1e: {  	s7 =	smul.u32 @!p0 $0xF7A, s2;
	p2 =	seq.s32 @!p0 s5, $0x0  }
0x1f: {  	s9 =	smul.u32 $0xF7A, s1;
	s8 =	simm.s32 @!p0 $0x1BF5;
	p2 =	por !p2, p0  }
0x20: {  	[sflag:s8] =	ssyncset.s32 @!p0 $0xFFFFF086;
	s6 =	sadd.s32 @!p0 s3, s7;
	s7 =	simm.s32 @!p0 $0x108  }
0x21: {  	s3 =	sadd.s32 s3, s9;
	s6 =	sadd.s32 @!p0 $0x88, s6;
	s7 =	simm.s32 @p2 $0x1082  }
0x22: {  	[simem:s7], [sflag:s8] =	dma.local @!p0 [hbm:s6], $0xF7A  }
0x23: {  	s9 =	sor.u32 $0xD0000000, s2;
	s6 =	simm.s32 $0x108;
	_ =	swait.ge @!p0 [sflag:s8], $0x0  }
0x24: {  	s3 =	sadd.s32 $0x88, s3;
	s6 =	simm.s32 @!p1 $0x1082;
	[sflag:s4] =	ssyncset.s32 $0xFFFFF086  }
0x25: {  	[simem:s6], [sflag:s4] =	dma.local [hbm:s3], $0xF7A  }
0x26: {  	[smem:$0x3F9B] =	sst s1;
	(tag) =	ssettag s2;
	_ =	strace s9  }
0x27: {  	s1 =	sld [smem:$0x3FAB]  }
0x28: {  	s2 =	sld [smem:$0x3FAC]  }
0x29: {  	s4 =	sld [smem:$0x3FAE]  }
0x2a: {  	p0 =	seq.s32 s5, $0x0;
	s5 =	sld [smem:$0x3FAF]  }
0x2b: {  	s6 =	sld [smem:$0x3FB0]  }
0x2c: {  	s7 =	sld [smem:$0x3FB1]  }
0x2d: {  	s3 =	simm.s32 $0x108;
	s8 =	sld [smem:$0x3FB2]  }
0x2e: {  	s3 =	simm.s32 @!p0 $0x1082;
	s9 =	sld [smem:$0x3FB3]  }
0x2f: {  	lr =	sadd.s32 s0, s3;
	s0 =	sld [smem:$0x3FAA]  }
0x30: {  	s3 =	sld [smem:$0x3FAD]  }
0x31: {  	[smem:$0x3FB6] =	sst s10  }
0x32: {  	s10 =	sld [smem:$0x3FB4];
	_ =	sdelay $0x3  }
0x33: {  	p0 =	seq.s32 s10, $0x1;
	s10 =	sld [smem:$0x3FB6];
	_ =	sdelay $0x3  }
0x34: {  	[smem:$0x3FB6] =	sst s10  }
0x35: {  	s10 =	sld [smem:$0x3FB5];
	_ =	sdelay $0x3  }
0x36: {  	p1 =	seq.s32 s10, $0x1;
	s10 =	sld [smem:$0x3FB6];
	_ =	sdelay $0x3  }
0x37: {  	[smem:$0x3FB6] =	sst s10  }
0x38: {  	s10 =	sld [smem:$0x3FB7]  }
0x39: {  	_ = 	snop;
	(pc) =	sbr.ind lr, $3  }
0x3a: {  	_ = 	snop  }
0x3b: {  	_ = 	snop  }
0x3c: {  	p2 =	seq.s32 s10, $0x1;
	s10 =	sld [smem:$0x3FB6]  }
0x3d: {  	_ =	shalt  }
0x3e: {  	_ =	shalt  }
0x3f: {  	_ =	shalt  }
0x40: {  	_ =	shalt  }
0x41: {  	_ =	shalt  }
0x42: {  	_ =	shalt  }
0x43: {  	_ =	shalt  }
0x44: {  	_ =	shalt  }
0x45: {  	_ =	shalt  }
0x46: {  	_ =	shalt  }
0x47: {  	_ =	shalt  }
0x48: {  	_ =	shalt  }
0x49: {  	_ =	shalt  }
0x4a: {  	_ =	shalt  }
0x4b: {  	_ =	shalt  }
0x4c: {  	_ =	shalt  }
0x4d: {  	_ =	shalt  }
0x4e: {  	_ =	shalt  }
0x4f: {  	_ =	shalt  }
0x50: {  	_ =	shalt  }
0x51: {  	_ =	shalt  }
0x52: {  	_ =	shalt  }
0x53: {  	_ =	shalt  }
0x54: {  	_ =	shalt  }
0x55: {  	_ =	shalt  }
0x56: {  	_ =	shalt  }
0x57: {  	_ =	shalt  }
0x58: {  	_ =	shalt  }
0x59: {  	_ =	shalt  }
0x5a: {  	_ =	shalt  }
0x5b: {  	_ =	shalt  }
0x5c: {  	_ =	shalt  }
0x5d: {  	_ =	shalt  }
0x5e: {  	_ =	shalt  }
0x5f: {  	_ =	shalt  }
0x60: {  	_ =	shalt  }
0x61: {  	_ =	shalt  }
0x62: {  	_ =	shalt  }
0x63: {  	_ =	shalt  }
0x64: {  	_ =	shalt  }
0x65: {  	_ =	shalt  }
0x66: {  	_ =	shalt  }
0x67: {  	_ =	shalt  }
0x68: {  	_ =	shalt  }
0x69: {  	_ =	shalt  }
0x6a: {  	_ =	shalt  }
0x6b: {  	_ =	shalt  }
0x6c: {  	_ =	shalt  }
0x6d: {  	_ =	shalt  }
0x6e: {  	_ =	shalt  }
0x6f: {  	_ =	shalt  }
0x70: {  	_ =	shalt  }
0x71: {  	_ =	shalt  }
0x72: {  	_ =	shalt  }
0x73: {  	_ =	shalt  }
0x74: {  	_ =	shalt  }
0x75: {  	_ =	shalt  }
0x76: {  	_ =	shalt  }
0x77: {  	_ =	shalt  }
0x78: {  	_ =	shalt  }
0x79: {  	_ =	shalt  }
0x7a: {  	_ =	shalt  }
0x7b: {  	_ =	shalt  }
0x7c: {  	_ =	shalt  }
0x7d: {  	_ =	shalt  }
0x7e: {  	_ =	shalt  }
0x7f: {  	_ =	shalt  }
0x80: {  	_ =	shalt  }
0x81: {  	_ =	shalt  }
0x82: {  	_ =	shalt  }
0x83: {  	_ =	shalt  }
0x84: {  	_ =	shalt  }
0x85: {  	_ =	shalt  }
0x86: {  	_ =	shalt  }
0x87: {  	_ =	shalt  }
.Lfunc_end0:
.L_simem_size_0:
called_computation_lowered:
.L_overlay_start_0:
0x88: {  	s2 =	sld [smem:$0x3FD9]  }
0x89: {  	s3 =	sld [smem:$0x3FFE];
	_ =	sdelay $0x1  }
0x8a: {  	s1 =	srdreg.scid  }
0x8b: {  	s0 =	sand.u32 $0x1, s1  }
0x8c: {  	s17 =	sshll.u32 s0, $0xA;
	s2 =	sadd.s32 s3, s2  }
0x8d: {  	s2 =	sadd.s32 s2, s17  }
0x8e: {  	[smem:$0x3FC2] =	sst s2  }
0x8f: {  	_ = 	snop  }
0x90: {  	s2 =	sld [smem:$0x3FD0];
	(tm) =	ssettm $0x1  }
0x91: {  	s18 =	sld [smem:$0x3FFB];
	_ =	sdelay $0x3  }
0x92: {  	_ =	strace s18  }
0x93: {  	s3 =	sld [smem:$0x3FFC];
	_ =	sdelay $0x3  }
0x94: {  	_ =	strace s3  }
0x95: {  	s3 =	sld [smem:$0x3FFD];
	_ =	sdelay $0x3  }
0x96: {  	_ =	strace s3  }
0x97: {  	_ =	strace $0x8FFFFFFF  }
0x98: {  	s19 =	sld [smem:$0x3FDB];
	_ =	sdelay $0x1  }
0x99: {  	s4 =	simm.s32 $_scs_section_size  }
0x9a: {  	s5 =	simm.s32 $_size__tile_overlayer_lowered;
	s6 =	simm.s32 $_tile_overlayer_lowered  }
0x9b: {  	s22 =	simm.s32 $0x1BFF;
	s21 =	sshll.u32 s6, $0x1;
	s3 =	sadd.s32 s4, s19  }
0x9c: {  	s7 =	simm.s32 $0x0;
	s20 =	sshll.u32 s5, $0x1;
	s5 =	sadd.s32 s21, s3  }
0x9d: {  	[timem:s7], [sflag:s22] =	dma.local [hbm:s5], s20  }
0x9e: {  	_ =	swait.ge [sflag:s22], s20  }
0x9f: {  	s4 =	ssub.s32 $0x0, s20;
	[sflag:s22] =	ssyncset.done $0x0  }
0xa0: {  	[sflag:s22] =	ssyncadd.s32 s4;
	_ =	sdelay $0x1  }
0xa1: {  	s23 =	simm.s32 $0x1B8B  }
0xa2: {  	_ =	swait.ge [sflag:s23], $0x1  }
0xa3: {  	[sflag:s23] =	ssyncset.done $0x0  }
0xa4: {  	s25 =	simm.s32 $0x1B8E;
	s24 =	sld [smem:$0x3FFE];
	[sflag:s23] =	ssyncadd.s32 $0xFFFFFFFF  }
0xa5: {  	s26 =	simm.s32 $execute0_lowered;
	[smem:$0x3FD2] =	sst s25  }
0xa6: {  	s5 =	sshll.u32 s26, $0x1;
	_ =	strace $0x80000046;
	[dreg:$0x1] =	wrdreg $0xFFFFFFFF  }
0xa7: {  	s28 =	simm.s32 $_size_execute0_lowered;
	s3 =	sadd.s32 s3, s5;
	[dreg:$0x0] =	wrdreg $0x0  }
0xa8: {  	s5 =	sshll.u32 s28, $0x1;
	[dreg:$0x2] =	wrdreg s3  }
0xa9: {  	[dreg:$0x3] =	wrdreg s5  }
0xaa: {  	[dreg:$0x4] =	wrdreg $0xC0  }
0xab: {  	_ =	task [dreg:s7], $0x5FFFF  }
0xac: {  	[dreg:$0x1] =	wrdreg $0xFFFFFFFF  }
0xad: {  	[dreg:$0x0] =	wrdreg $0x60  }
0xae: {  	[dreg:$0x2] =	wrdreg s24  }
0xaf: {  	[dreg:$0x3] =	wrdreg s2  }
0xb0: {  	[dreg:$0x4] =	wrdreg $0xAA00  }
0xb1: {  	[dreg:$0x5] =	wrdreg $0x9  }
0xb2: {  	_ =	task.clear_ibuf [dreg:s7], $0x6FFFF;
	_ =	strace $0x90000046  }
0xb3: {  	s29 =	simm.s32 $0x9;
	_ =	strace $0x80000048  }
0xb4: {  	_ =	swait.ge [sflag:s29], $0x1  }
0xb5: {  	[sflag:s29] =	ssyncadd.s32 $0xFFFFFFFF  }
0xb6: {  	_ =	strace $0x90000048  }
0xb7: {  	_ =	sfence  }
0xb8: {  	s30 =	sld [smem:$0x0];
	_ =	sdelay $0x2  }
0xb9: {  	s31 =	sshll.u32 s1, $0xD;
	s1 =	sshrl.u32 s1, $0x2  }
0xba: {  	s3 =	sand.u32 $0x4000, s31;
	s1 =	sadd.s32 s1, s30  }
0xbb: {  	s0 =	sor.u32 s3, s0;
	s1 =	sshll.u32 s1, $0x11  }
0xbc: {  	s0 =	sor.u32 s1, s0  }
0xbd: {  	s0 =	sadd.s32 $0x8F2B, s0  }
0xbe: {  	[sflag:s0] =	ssyncadd.remote.s32 $0x1  }
0xbf: {  	_ =	sfence.sel $0xFFFF  }
0xc0: {  	[dreg:$0x0] =	wrdreg $0xFFFFFFFF;
	(pc) =	sbr.abs _section_cstart, $3  }
0xc1: {  	[dreg:$0x1] =	wrdreg $0xFFFFFFFF  }
0xc2: {  	_ =	task.clear_ibuf [dreg:s7], $0x2FFFF;
	_ =	strace $0x9FFFFFFF  }
0xc3: {  	(tm) =	ssettm $0x7FFFFFFF  }
tec
execute0_lowered:
.L_overlay_start_1:
0x0: {  	(tag) =	ssettag $0x1  }
0x1: {  	s5 =	rddreg [dreg:$0x0]  }
0x2: {  	s7 =	rddreg [dreg:$0x1]  }
0x3: {  	s2 =	rddreg [dreg:$0x2]  }
0x4: {  	s0 =	rddreg [dreg:$0x3];
	s3 =	simm.s32 $0x0;
	s1 =	stileid.u32  }
0x5: {  	s4 =	srdreg.scid;
	s15 =	simm.s32 $0x1;
	s6 =	smul.u32 $0x186A, s1  }
0x6: {  	s16 =	simm.s32 $0x0;
	[smem:$0x7FF] =	sst s3;
	s9 =	smul.u32 $0x30E0, s1  }
0x7: {  	s8 =	sand.u32 $0x1, s4;
	s4 =	sadd.s32 $0x1B9800, s5;
	s11 =	smul.u32 $0x61C00, s1  }
0x8: {  	s31 =	sshll.u32 s1, $0x6;
	_ =	strace $0x80000047;
	s13 =	smul.u32 $0x30E00, s8  }
0x9: {  	s10 =	ssub.s32 $0x2, s8;
	s14 =	smul.u32 $0xC350, s8;
	s12 =	sadd.s32 s6, s5  }
0xa: {  	s29 =	sshrl.u32 s10, $0x1;
	s5 =	sadd.s32 $0x32E00, s5;
	s30 =	sshrl.u32 s11, $0x2  }
0xb: {  	s6 =	sor.u32 $0x1C02, s31;
	s10 =	ssub.s32 s10, s29;
	s11 =	sadd.s32 s30, s2  }
0xc: {  	s9 =	sadd.s32 s9, s13;
	s13 =	simm.s32 $0x50;
	v0 =	vmov s14;
	s14 =	simm.s32 $0xA0  }
0xd: {  	s7 =	sadd.s32 s7, s9;
	s8 =	smax.u32 s10, $0x1;
	s9 =	sadd.s32 $0x1E00, s12  }
0xe: {  	s10 =	sadd.s32 $0x1A600, s12;
	s11 =	sshrl.u32 s11, $0x3;
	s12 =	simm.s32 $0x2  }
.LBB2_1:
0xf: {  	[spmem:s11], [sflag:s6] =	dma.local [hbm:s5], $0x30E0  }
0x10: {  	_ =	swait.ge [sflag:s12], $0x30E0  }
0x11: {  	[sflag:s12] =	ssyncset.done $0x0  }
0x12: {  	[sflag:s12] =	ssyncadd.s32 $0xFFFFCF20  }
0x13: {  	s17 =	sadd.s32 $0x0, s10;
	[bflag:$0x0] =	sbarrier.arrive $0xFFFF  }
0x14: {  	[tilespmem:s3], [sflag:$0x2] =	stream.linear.gather [hbm4b:s17+s3], $0x50, $0x38;
	[tilespmem:$0x191A0] =	vst v63  }
0x15: {  	_ =	swait.ge [sflag:s12], $0x50  }
0x16: {  	[sflag:s12] =	ssyncset.done $0x0  }
0x17: {  	s31 =	sadd.s32 $0x0, s9;
	[sflag:s12] =	ssyncadd.s32 $0xFFFFFFB0  }
0x18: {  	[tilespmem:s13], [sflag:$0x2] =	stream.linear.gather [hbm4b:s31+s3], $0x50, $0x38;
	[tilespmem:$0x191A0] =	vst v63  }
0x19: {  	_ =	swait.ge [sflag:s12], $0x50  }
0x1a: {  	[sflag:s12] =	ssyncset.done $0x0  }
0x1b: {  	[sflag:s12] =	ssyncadd.s32 $0xFFFFFFB0  }
0x1c: {  	v1 =	vld [tilespmem:$0x40]  }
0x1d: {  	v2 =	vld [tilespmem:$0x20]  }
0x1e: {  	v3 =	vld [tilespmem:$0x30]  }
0x1f: {  	v4 =	vld [tilespmem:$0x10]  }
0x20: {  	v5 =	vld [tilespmem:$0x0]  }
0x21: {  	v1 =	vadd.s32 v0, v1  }
0x22: {  	v2 =	vadd.s32 v0, v2;
	[tilespmem:$0x40] =	vst v1  }
0x23: {  	[tilespmem:$0x20] =	vst v2;
	v1 =	vadd.s32 v0, v3  }
0x24: {  	v2 =	vadd.s32 v0, v4;
	[tilespmem:$0x30] =	vst v1  }
0x25: {  	v1 =	vadd.s32 v0, v5;
	[tilespmem:$0x10] =	vst v2  }
0x26: {  	[tilespmem:$0x0] =	vst v1  }
0x27: {  	[tilespmem:s14], [sflag:$0x1] =	stream.indirect.gather [hbm4b:s4+s13], $0x20, s3, s13, $0xb8;
	[tilespmem:$0x191A0] =	vst v63  }
0x28: {  	_ =	swait.ge [sflag:s15], $0xA00  }
0x29: {  	s17 =	simm.s32 $0xA;
	[sflag:s15] =	ssyncset.done $0x0  }
.LBB2_2:
0x2a: {  	p0 =	sne.s32 s17, $0x1860  }
0x2b: {  	[sflag:s15] =	ssyncadd.s32 $0xFFFFF600;
	s18 =	smov.u32 s17;
	s17 =	sadd.s32 $0xA, s17  }
0x2c: {  	[spmem:s2] =	stream.indirect.scatter.add.f32 [tilespmem:s14], [sflag:$0x2], $0x20, s13, s13, $0xb8;
	[tilespmem:$0x191A0] =	vst v63  }
0x2d: {  	_ =	swait.ge [sflag:s12], $0xA00  }
0x2e: {  	[sflag:s12] =	ssyncset.done $0x0  }
0x2f: {  	s19 =	sadd.s32 s18, s10;
	[sflag:s12] =	ssyncadd.s32 $0xFFFFF600  }
0x30: {  	[tilespmem:s3], [sflag:$0x2] =	stream.linear.gather [hbm4b:s19+s3], $0x50, $0x38;
	[tilespmem:$0x191A0] =	vst v63  }
0x31: {  	_ =	swait.ge [sflag:s12], $0x50  }
0x32: {  	[sflag:s12] =	ssyncset.done $0x0  }
0x33: {  	s18 =	sadd.s32 s18, s9;
	[sflag:s12] =	ssyncadd.s32 $0xFFFFFFB0  }
0x34: {  	[tilespmem:s13], [sflag:$0x2] =	stream.linear.gather [hbm4b:s18+s3], $0x50, $0x38;
	[tilespmem:$0x191A0] =	vst v63  }
0x35: {  	_ =	swait.ge [sflag:s12], $0x50  }
0x36: {  	[sflag:s12] =	ssyncset.done $0x0  }
0x37: {  	[sflag:s12] =	ssyncadd.s32 $0xFFFFFFB0  }
0x38: {  	v1 =	vld [tilespmem:$0x40]  }
0x39: {  	v2 =	vld [tilespmem:$0x20]  }
0x3a: {  	v3 =	vld [tilespmem:$0x30]  }
0x3b: {  	v4 =	vld [tilespmem:$0x10]  }
0x3c: {  	v5 =	vld [tilespmem:$0x0]  }
0x3d: {  	v1 =	vadd.s32 v0, v1  }
0x3e: {  	v2 =	vadd.s32 v0, v2;
	[tilespmem:$0x40] =	vst v1  }
0x3f: {  	[tilespmem:$0x20] =	vst v2;
	v1 =	vadd.s32 v0, v3  }
0x40: {  	v2 =	vadd.s32 v0, v4;
	[tilespmem:$0x30] =	vst v1  }
.Ltmp0:
0x41: {  	v1 =	vadd.s32 v0, v5;
	[tilespmem:$0x10] =	vst v2;
	(pc) =	sbr.rel @p0 .LBB2_2-.Ltmp0, $4  }
0x42: {  	[tilespmem:$0x0] =	vst v1  }
0x43: {  	[tilespmem:s14], [sflag:$0x1] =	stream.indirect.gather [hbm4b:s4+s13], $0x20, s3, s13, $0xb8;
	[tilespmem:$0x191A0] =	vst v63  }
0x44: {  	_ =	swait.ge [sflag:s15], $0xA00  }
0x45: {  	[sflag:s15] =	ssyncset.done $0x0  }
0x46: {  	[sflag:s15] =	ssyncadd.s32 $0xFFFFF600  }
0x47: {  	[spmem:s2] =	stream.indirect.scatter.add.f32 [tilespmem:s14], [sflag:$0x2], $0x20, s13, s13, $0xb8;
	[tilespmem:$0x191A0] =	vst v63  }
0x48: {  	_ =	swait.ge [sflag:s12], $0xA00  }
0x49: {  	s16 =	sadd.s32 $0x1, s16;
	[sflag:s12] =	ssyncset.done $0x0  }
0x4a: {  	p0 =	sne.s32 s16, s8;
	[sflag:s12] =	ssyncadd.s32 $0xFFFFF600  }
.Ltmp1:
0x4b: {  	[bflag:$0x0] =	sbarrier.arrive $0xFFFF;
	(pc) =	sbr.rel @p0 .LBB2_1-.Ltmp1, $4  }
0x4c: {  	[hbm:s7], [sflag:s6] =	dma.local [spmem:s11], $0x30E0  }
0x4d: {  	_ =	swait.ge [sflag:s12], $0x30E0  }
0x4e: {  	[sflag:s12] =	ssyncset.done $0x0  }
0x4f: {  	[sflag:s12] =	ssyncadd.s32 $0xFFFFCF20  }
0x50: {  	_ =	sfence.sel $0x180000  }
0x51: {  	[bflag:$0x0] =	sbarrier.arrive $0xFFFF  }
0x52: {  	p0 =	sne.s32 s1, $0x0;
	_ =	strace $0x90000047  }
0x53: {  	s0 =	sadd.s32 @!p0 $0x100000, s0;
	[bflag:$0x2] =	sbarrier.arrive $0xFFFF  }
0x54: {  	[sflag:s0] =	ssyncadd.tile.s32 @!p0 $0x1;
	_ =	shalt  }
.Lfunc_end2:
_tile_overlayer_lowered:
.L_overlay_start_2:
0x55: {  	(tag) =	ssettag $0x2  }
0x56: {  	s0 =	rddreg [dreg:$0x0];
	s2 =	stileid.u32  }
0x57: {  	s1 =	rddreg [dreg:$0x1];
	p0 =	sne.s32 s2, $0x0  }
0x58: {  	s3 =	rddreg [dreg:$0x2];
	[bflag:$0x3] =	sbarrier.arrive $0xFFFF;
	s2 =	simm.s32 @!p0 $0x1C02  }
0x59: {  	[timem:s3], [sflag:s2] =	dma.local @!p0 [hbm:s0], s1  }
0x5a: {  	s0 =	simm.s32 @!p0 $0x2  }
0x5b: {  	_ =	swait.ge @!p0 [sflag:s0], s1  }
0x5c: {  	s1 =	ssub.s32 @!p0 $0x0, s1;
	[sflag:s0] =	ssyncset.done @!p0 $0x0  }
0x5d: {  	[sflag:s0] =	ssyncadd.s32 @!p0 s1  }
0x5e: {  	[bflag:$0x3] =	sbarrier.arrive $0xFFFF  }
0x5f: {  	_ =	shalt  }

// kernel: kernel.9.cloned.1.call-start
scs
__scs_entry_jumppad:
0x0: {  	(pc) =	sbr.rel $0x88, $3  }
0x1: {  	(tag) =	ssettag $0x0;
	lr =	simm.s32 $0x1  }
0x2: {  	[smem:$0x3F9B] =	sst lr;
	_ =	strace $0xD0000000  }
0x3: {  	_ = 	snop  }
0x4: {  	_ = 	snop  }
0x5: {  	_ = 	snop  }
0x6: {  	_ = 	snop  }
0x7: {  	_ = 	snop  }
__scs_overlays_trampoline_lowered:
0x8: {  	[smem:$0x3FAA] =	sst s0  }
0x9: {  	[smem:$0x3FAB] =	sst s1  }
0xa: {  	[smem:$0x3FAC] =	sst s2  }
0xb: {  	[smem:$0x3FAD] =	sst s3  }
0xc: {  	[smem:$0x3FAE] =	sst s4  }
0xd: {  	[smem:$0x3FAF] =	sst s5  }
0xe: {  	[smem:$0x3FB0] =	sst s6  }
0xf: {  	[smem:$0x3FB1] =	sst s7  }
0x10: {  	[smem:$0x3FB2] =	sst s8  }
0x11: {  	[smem:$0x3FB3] =	sst s9;
	s0 =	simm.s32 @!p0 $0x0  }
0x12: {  	s1 =	sld [smem:$0x3F99];
	s0 =	simm.s32 @p0 $0x1  }
0x13: {  	[smem:$0x3FB4] =	sst s0;
	s0 =	simm.s32 @!p1 $0x0  }
0x14: {  	s2 =	sld [smem:$0x3F98];
	s0 =	simm.s32 @p1 $0x1  }
0x15: {  	[smem:$0x3FB5] =	sst s0;
	s0 =	simm.s32 @!p2 $0x0  }
0x16: {  	s3 =	sld [smem:$0x3FDB];
	s0 =	simm.s32 @p2 $0x1  }
0x17: {  	s4 =	simm.s32 $0x1BF5;
	[smem:$0x3FB7] =	sst s0  }
0x18: {  	s0 =	sld [smem:$0x3F9A];
	_ =	swait.ge [sflag:s4], $0x0  }
0x19: {  	s7 =	sld [smem:$0x3F9B]  }
0x1a: {  	s8 =	sadd.s32 $0xFFFFE003, lr  }
0x1b: {  	s9 =	sadd.s32 $0xFFFFFEF7, lr;
	s5 =	simm.s32 $0xFFFFFFFF;
	p2 =	slt.u32 s8, $0xFFFFF086  }
0x1c: {  	p1 =	slt.u32 s9, $0xF7A;
	s5 =	simm.s32 @!p2 $0x0  }
0x1d: {  	s5 =	simm.s32 @p1 $0x1;
	p0 =	seq.s32 s7, s2  }
0x1e: {  	s7 =	smul.u32 @!p0 $0xF7A, s2;
	p2 =	seq.s32 @!p0 s5, $0x0  }
0x1f: {  	s9 =	smul.u32 $0xF7A, s1;
	s8 =	simm.s32 @!p0 $0x1BF5;
	p2 =	por !p2, p0  }
0x20: {  	[sflag:s8] =	ssyncset.s32 @!p0 $0xFFFFF086;
	s6 =	sadd.s32 @!p0 s3, s7;
	s7 =	simm.s32 @!p0 $0x108  }
0x21: {  	s3 =	sadd.s32 s3, s9;
	s6 =	sadd.s32 @!p0 $0x88, s6;
	s7 =	simm.s32 @p2 $0x1082  }
0x22: {  	[simem:s7], [sflag:s8] =	dma.local @!p0 [hbm:s6], $0xF7A  }
0x23: {  	s9 =	sor.u32 $0xD0000000, s2;
	s6 =	simm.s32 $0x108;
	_ =	swait.ge @!p0 [sflag:s8], $0x0  }
0x24: {  	s3 =	sadd.s32 $0x88, s3;
	s6 =	simm.s32 @!p1 $0x1082;
	[sflag:s4] =	ssyncset.s32 $0xFFFFF086  }
0x25: {  	[simem:s6], [sflag:s4] =	dma.local [hbm:s3], $0xF7A  }
0x26: {  	[smem:$0x3F9B] =	sst s1;
	(tag) =	ssettag s2;
	_ =	strace s9  }
0x27: {  	s1 =	sld [smem:$0x3FAB]  }
0x28: {  	s2 =	sld [smem:$0x3FAC]  }
0x29: {  	s4 =	sld [smem:$0x3FAE]  }
0x2a: {  	p0 =	seq.s32 s5, $0x0;
	s5 =	sld [smem:$0x3FAF]  }
0x2b: {  	s6 =	sld [smem:$0x3FB0]  }
0x2c: {  	s7 =	sld [smem:$0x3FB1]  }
0x2d: {  	s3 =	simm.s32 $0x108;
	s8 =	sld [smem:$0x3FB2]  }
0x2e: {  	s3 =	simm.s32 @!p0 $0x1082;
	s9 =	sld [smem:$0x3FB3]  }
0x2f: {  	lr =	sadd.s32 s0, s3;
	s0 =	sld [smem:$0x3FAA]  }
0x30: {  	s3 =	sld [smem:$0x3FAD]  }
0x31: {  	[smem:$0x3FB6] =	sst s10  }
0x32: {  	s10 =	sld [smem:$0x3FB4];
	_ =	sdelay $0x3  }
0x33: {  	p0 =	seq.s32 s10, $0x1;
	s10 =	sld [smem:$0x3FB6];
	_ =	sdelay $0x3  }
0x34: {  	[smem:$0x3FB6] =	sst s10  }
0x35: {  	s10 =	sld [smem:$0x3FB5];
	_ =	sdelay $0x3  }
0x36: {  	p1 =	seq.s32 s10, $0x1;
	s10 =	sld [smem:$0x3FB6];
	_ =	sdelay $0x3  }
0x37: {  	[smem:$0x3FB6] =	sst s10  }
0x38: {  	s10 =	sld [smem:$0x3FB7]  }
0x39: {  	_ = 	snop;
	(pc) =	sbr.ind lr, $3  }
0x3a: {  	_ = 	snop  }
0x3b: {  	_ = 	snop  }
0x3c: {  	p2 =	seq.s32 s10, $0x1;
	s10 =	sld [smem:$0x3FB6]  }
0x3d: {  	_ =	shalt  }
0x3e: {  	_ =	shalt  }
0x3f: {  	_ =	shalt  }
0x40: {  	_ =	shalt  }
0x41: {  	_ =	shalt  }
0x42: {  	_ =	shalt  }
0x43: {  	_ =	shalt  }
0x44: {  	_ =	shalt  }
0x45: {  	_ =	shalt  }
0x46: {  	_ =	shalt  }
0x47: {  	_ =	shalt  }
0x48: {  	_ =	shalt  }
0x49: {  	_ =	shalt  }
0x4a: {  	_ =	shalt  }
0x4b: {  	_ =	shalt  }
0x4c: {  	_ =	shalt  }
0x4d: {  	_ =	shalt  }
0x4e: {  	_ =	shalt  }
0x4f: {  	_ =	shalt  }
0x50: {  	_ =	shalt  }
0x51: {  	_ =	shalt  }
0x52: {  	_ =	shalt  }
0x53: {  	_ =	shalt  }
0x54: {  	_ =	shalt  }
0x55: {  	_ =	shalt  }
0x56: {  	_ =	shalt  }
0x57: {  	_ =	shalt  }
0x58: {  	_ =	shalt  }
0x59: {  	_ =	shalt  }
0x5a: {  	_ =	shalt  }
0x5b: {  	_ =	shalt  }
0x5c: {  	_ =	shalt  }
0x5d: {  	_ =	shalt  }
0x5e: {  	_ =	shalt  }
0x5f: {  	_ =	shalt  }
0x60: {  	_ =	shalt  }
0x61: {  	_ =	shalt  }
0x62: {  	_ =	shalt  }
0x63: {  	_ =	shalt  }
0x64: {  	_ =	shalt  }
0x65: {  	_ =	shalt  }
0x66: {  	_ =	shalt  }
0x67: {  	_ =	shalt  }
0x68: {  	_ =	shalt  }
0x69: {  	_ =	shalt  }
0x6a: {  	_ =	shalt  }
0x6b: {  	_ =	shalt  }
0x6c: {  	_ =	shalt  }
0x6d: {  	_ =	shalt  }
0x6e: {  	_ =	shalt  }
0x6f: {  	_ =	shalt  }
0x70: {  	_ =	shalt  }
0x71: {  	_ =	shalt  }
0x72: {  	_ =	shalt  }
0x73: {  	_ =	shalt  }
0x74: {  	_ =	shalt  }
0x75: {  	_ =	shalt  }
0x76: {  	_ =	shalt  }
0x77: {  	_ =	shalt  }
0x78: {  	_ =	shalt  }
0x79: {  	_ =	shalt  }
0x7a: {  	_ =	shalt  }
0x7b: {  	_ =	shalt  }
0x7c: {  	_ =	shalt  }
0x7d: {  	_ =	shalt  }
0x7e: {  	_ =	shalt  }
0x7f: {  	_ =	shalt  }
0x80: {  	_ =	shalt  }
0x81: {  	_ =	shalt  }
0x82: {  	_ =	shalt  }
0x83: {  	_ =	shalt  }
0x84: {  	_ =	shalt  }
0x85: {  	_ =	shalt  }
0x86: {  	_ =	shalt  }
0x87: {  	_ =	shalt  }
.Lfunc_end0:
.L_simem_size_0:
called_computation.1_lowered:
.L_overlay_start_0:
0x88: {  	s2 =	sld [smem:$0x3FD9]  }
0x89: {  	s3 =	sld [smem:$0x3FFE];
	_ =	sdelay $0x1  }
0x8a: {  	s1 =	srdreg.scid  }
0x8b: {  	s0 =	sand.u32 $0x1, s1  }
0x8c: {  	s17 =	sshll.u32 s0, $0xA;
	s2 =	sadd.s32 s3, s2  }
0x8d: {  	s2 =	sadd.s32 s2, s17  }
0x8e: {  	[smem:$0x3FC2] =	sst s2  }
0x8f: {  	_ = 	snop  }
0x90: {  	s2 =	sld [smem:$0x3FD0];
	(tm) =	ssettm $0x1  }
0x91: {  	s18 =	sld [smem:$0x3FFB];
	_ =	sdelay $0x3  }
0x92: {  	_ =	strace s18  }
0x93: {  	s3 =	sld [smem:$0x3FFC];
	_ =	sdelay $0x3  }
0x94: {  	_ =	strace s3  }
0x95: {  	s3 =	sld [smem:$0x3FFD];
	_ =	sdelay $0x3  }
0x96: {  	_ =	strace s3  }
0x97: {  	_ =	strace $0x8FFFFFFF  }
0x98: {  	s19 =	sld [smem:$0x3FDB];
	_ =	sdelay $0x1  }
0x99: {  	s4 =	simm.s32 $_scs_section_size  }
0x9a: {  	s5 =	simm.s32 $_size__tile_overlayer_lowered;
	s6 =	simm.s32 $_tile_overlayer_lowered  }
0x9b: {  	s22 =	simm.s32 $0x1BFF;
	s21 =	sshll.u32 s6, $0x1;
	s3 =	sadd.s32 s4, s19  }
0x9c: {  	s7 =	simm.s32 $0x0;
	s20 =	sshll.u32 s5, $0x1;
	s5 =	sadd.s32 s21, s3  }
0x9d: {  	[timem:s7], [sflag:s22] =	dma.local [hbm:s5], s20  }
0x9e: {  	_ =	swait.ge [sflag:s22], s20  }
0x9f: {  	s4 =	ssub.s32 $0x0, s20;
	[sflag:s22] =	ssyncset.done $0x0  }
0xa0: {  	[sflag:s22] =	ssyncadd.s32 s4;
	_ =	sdelay $0x1  }
0xa1: {  	s23 =	simm.s32 $0x1B8B  }
0xa2: {  	_ =	swait.ge [sflag:s23], $0x1  }
0xa3: {  	[sflag:s23] =	ssyncset.done $0x0  }
0xa4: {  	s25 =	simm.s32 $0x1B8E;
	s24 =	sld [smem:$0x3FFE];
	[sflag:s23] =	ssyncadd.s32 $0xFFFFFFFF  }
0xa5: {  	s26 =	simm.s32 $execute0_lowered;
	[smem:$0x3FD2] =	sst s25  }
0xa6: {  	s5 =	sshll.u32 s26, $0x1;
	_ =	strace $0x80000049;
	[dreg:$0x1] =	wrdreg $0xFFFFFFFF  }
0xa7: {  	s28 =	simm.s32 $_size_execute0_lowered;
	s3 =	sadd.s32 s3, s5;
	[dreg:$0x0] =	wrdreg $0x0  }
0xa8: {  	s5 =	sshll.u32 s28, $0x1;
	[dreg:$0x2] =	wrdreg s3  }
0xa9: {  	[dreg:$0x3] =	wrdreg s5  }
0xaa: {  	[dreg:$0x4] =	wrdreg $0xC0  }
0xab: {  	_ =	task [dreg:s7], $0x5FFFF  }
0xac: {  	[dreg:$0x1] =	wrdreg $0xFFFFFFFF  }
0xad: {  	[dreg:$0x0] =	wrdreg $0x60  }
0xae: {  	[dreg:$0x2] =	wrdreg s24  }
0xaf: {  	[dreg:$0x3] =	wrdreg s2  }
0xb0: {  	[dreg:$0x4] =	wrdreg $0xAA00  }
0xb1: {  	[dreg:$0x5] =	wrdreg $0x9  }
0xb2: {  	_ =	task.clear_ibuf [dreg:s7], $0x6FFFF;
	_ =	strace $0x90000049  }
0xb3: {  	s29 =	simm.s32 $0x9;
	_ =	strace $0x8000004B  }
0xb4: {  	_ =	swait.ge [sflag:s29], $0x1  }
0xb5: {  	[sflag:s29] =	ssyncadd.s32 $0xFFFFFFFF  }
0xb6: {  	_ =	strace $0x9000004B  }
0xb7: {  	_ =	sfence  }
0xb8: {  	s30 =	sld [smem:$0x0];
	_ =	sdelay $0x2  }
0xb9: {  	s31 =	sshll.u32 s1, $0xD;
	s1 =	sshrl.u32 s1, $0x2  }
0xba: {  	s3 =	sand.u32 $0x4000, s31;
	s1 =	sadd.s32 s1, s30  }
0xbb: {  	s0 =	sor.u32 s3, s0;
	s1 =	sshll.u32 s1, $0x11  }
0xbc: {  	s0 =	sor.u32 s1, s0  }
0xbd: {  	s0 =	sadd.s32 $0x8F2B, s0  }
0xbe: {  	[sflag:s0] =	ssyncadd.remote.s32 $0x1  }
0xbf: {  	_ =	sfence.sel $0xFFFF  }
0xc0: {  	[dreg:$0x0] =	wrdreg $0xFFFFFFFF;
	(pc) =	sbr.abs _section_cstart, $3  }
0xc1: {  	[dreg:$0x1] =	wrdreg $0xFFFFFFFF  }
0xc2: {  	_ =	task.clear_ibuf [dreg:s7], $0x2FFFF;
	_ =	strace $0x9FFFFFFF  }
0xc3: {  	(tm) =	ssettm $0x7FFFFFFF  }
tec
execute0_lowered:
.L_overlay_start_1:
0x0: {  	(tag) =	ssettag $0x1  }
0x1: {  	s5 =	rddreg [dreg:$0x0]  }
0x2: {  	s7 =	rddreg [dreg:$0x1]  }
0x3: {  	s2 =	rddreg [dreg:$0x2]  }
0x4: {  	s0 =	rddreg [dreg:$0x3];
	s3 =	simm.s32 $0x0;
	s1 =	stileid.u32  }
0x5: {  	s4 =	srdreg.scid;
	s15 =	simm.s32 $0x1;
	s6 =	smul.u32 $0x186A, s1  }
0x6: {  	s16 =	simm.s32 $0x0;
	[smem:$0x7FF] =	sst s3;
	s9 =	smul.u32 $0x30E0, s1  }
0x7: {  	s8 =	sand.u32 $0x1, s4;
	s4 =	sadd.s32 $0x36000, s5;
	s11 =	smul.u32 $0x61C00, s1  }
0x8: {  	s31 =	sshll.u32 s1, $0x6;
	_ =	strace $0x8000004A;
	s13 =	smul.u32 $0x30E00, s8  }
0x9: {  	s10 =	ssub.s32 $0x2, s8;
	s14 =	smul.u32 $0xC350, s8;
	s12 =	sadd.s32 s6, s5  }
0xa: {  	s29 =	sshrl.u32 s10, $0x1;
	s5 =	sadd.s32 $0x32E00, s5;
	s30 =	sshrl.u32 s11, $0x2  }
0xb: {  	s6 =	sor.u32 $0x1C02, s31;
	s10 =	ssub.s32 s10, s29;
	s11 =	sadd.s32 s30, s2  }
0xc: {  	s9 =	sadd.s32 s9, s13;
	s13 =	simm.s32 $0x50;
	v0 =	vmov s14;
	s14 =	simm.s32 $0xA0  }
0xd: {  	s7 =	sadd.s32 s7, s9;
	s8 =	smax.u32 s10, $0x1;
	s9 =	sadd.s32 $0x1E00, s12  }
0xe: {  	s10 =	sadd.s32 $0x1A600, s12;
	s11 =	sshrl.u32 s11, $0x3;
	s12 =	simm.s32 $0x2  }
.LBB2_1:
0xf: {  	[spmem:s11], [sflag:s6] =	dma.local [hbm:s5], $0x30E0  }
0x10: {  	_ =	swait.ge [sflag:s12], $0x30E0  }
0x11: {  	[sflag:s12] =	ssyncset.done $0x0  }
0x12: {  	[sflag:s12] =	ssyncadd.s32 $0xFFFFCF20  }
0x13: {  	s17 =	sadd.s32 $0x0, s10;
	[bflag:$0x0] =	sbarrier.arrive $0xFFFF  }
0x14: {  	[tilespmem:s3], [sflag:$0x2] =	stream.linear.gather [hbm4b:s17+s3], $0x50, $0x38;
	[tilespmem:$0x191A0] =	vst v63  }
0x15: {  	_ =	swait.ge [sflag:s12], $0x50  }
0x16: {  	[sflag:s12] =	ssyncset.done $0x0  }
0x17: {  	s31 =	sadd.s32 $0x0, s9;
	[sflag:s12] =	ssyncadd.s32 $0xFFFFFFB0  }
0x18: {  	[tilespmem:s13], [sflag:$0x2] =	stream.linear.gather [hbm4b:s31+s3], $0x50, $0x38;
	[tilespmem:$0x191A0] =	vst v63  }
0x19: {  	_ =	swait.ge [sflag:s12], $0x50  }
0x1a: {  	[sflag:s12] =	ssyncset.done $0x0  }
0x1b: {  	[sflag:s12] =	ssyncadd.s32 $0xFFFFFFB0  }
0x1c: {  	v1 =	vld [tilespmem:$0x40]  }
0x1d: {  	v2 =	vld [tilespmem:$0x20]  }
0x1e: {  	v3 =	vld [tilespmem:$0x30]  }
0x1f: {  	v4 =	vld [tilespmem:$0x10]  }
0x20: {  	v5 =	vld [tilespmem:$0x0]  }
0x21: {  	v1 =	vadd.s32 v0, v1  }
0x22: {  	v2 =	vadd.s32 v0, v2;
	[tilespmem:$0x40] =	vst v1  }
0x23: {  	[tilespmem:$0x20] =	vst v2;
	v1 =	vadd.s32 v0, v3  }
0x24: {  	v2 =	vadd.s32 v0, v4;
	[tilespmem:$0x30] =	vst v1  }
0x25: {  	v1 =	vadd.s32 v0, v5;
	[tilespmem:$0x10] =	vst v2  }
0x26: {  	[tilespmem:$0x0] =	vst v1  }
0x27: {  	[tilespmem:s14], [sflag:$0x1] =	stream.indirect.gather [hbm4b:s4+s13], $0x20, s3, s13, $0xb8;
	[tilespmem:$0x191A0] =	vst v63  }
0x28: {  	_ =	swait.ge [sflag:s15], $0xA00  }
0x29: {  	s17 =	simm.s32 $0xA;
	[sflag:s15] =	ssyncset.done $0x0  }
.LBB2_2:
0x2a: {  	p0 =	sne.s32 s17, $0x1860  }
0x2b: {  	[sflag:s15] =	ssyncadd.s32 $0xFFFFF600;
	s18 =	smov.u32 s17;
	s17 =	sadd.s32 $0xA, s17  }
0x2c: {  	[spmem:s2] =	stream.indirect.scatter.add.f32 [tilespmem:s14], [sflag:$0x2], $0x20, s13, s13, $0xb8;
	[tilespmem:$0x191A0] =	vst v63  }
0x2d: {  	_ =	swait.ge [sflag:s12], $0xA00  }
0x2e: {  	[sflag:s12] =	ssyncset.done $0x0  }
0x2f: {  	s19 =	sadd.s32 s18, s10;
	[sflag:s12] =	ssyncadd.s32 $0xFFFFF600  }
0x30: {  	[tilespmem:s3], [sflag:$0x2] =	stream.linear.gather [hbm4b:s19+s3], $0x50, $0x38;
	[tilespmem:$0x191A0] =	vst v63  }
0x31: {  	_ =	swait.ge [sflag:s12], $0x50  }
0x32: {  	[sflag:s12] =	ssyncset.done $0x0  }
0x33: {  	s18 =	sadd.s32 s18, s9;
	[sflag:s12] =	ssyncadd.s32 $0xFFFFFFB0  }
0x34: {  	[tilespmem:s13], [sflag:$0x2] =	stream.linear.gather [hbm4b:s18+s3], $0x50, $0x38;
	[tilespmem:$0x191A0] =	vst v63  }
0x35: {  	_ =	swait.ge [sflag:s12], $0x50  }
0x36: {  	[sflag:s12] =	ssyncset.done $0x0  }
0x37: {  	[sflag:s12] =	ssyncadd.s32 $0xFFFFFFB0  }
0x38: {  	v1 =	vld [tilespmem:$0x40]  }
0x39: {  	v2 =	vld [tilespmem:$0x20]  }
0x3a: {  	v3 =	vld [tilespmem:$0x30]  }
0x3b: {  	v4 =	vld [tilespmem:$0x10]  }
0x3c: {  	v5 =	vld [tilespmem:$0x0]  }
0x3d: {  	v1 =	vadd.s32 v0, v1  }
0x3e: {  	v2 =	vadd.s32 v0, v2;
	[tilespmem:$0x40] =	vst v1  }
0x3f: {  	[tilespmem:$0x20] =	vst v2;
	v1 =	vadd.s32 v0, v3  }
0x40: {  	v2 =	vadd.s32 v0, v4;
	[tilespmem:$0x30] =	vst v1  }
.Ltmp0:
0x41: {  	v1 =	vadd.s32 v0, v5;
	[tilespmem:$0x10] =	vst v2;
	(pc) =	sbr.rel @p0 .LBB2_2-.Ltmp0, $4  }
0x42: {  	[tilespmem:$0x0] =	vst v1  }
0x43: {  	[tilespmem:s14], [sflag:$0x1] =	stream.indirect.gather [hbm4b:s4+s13], $0x20, s3, s13, $0xb8;
	[tilespmem:$0x191A0] =	vst v63  }
0x44: {  	_ =	swait.ge [sflag:s15], $0xA00  }
0x45: {  	[sflag:s15] =	ssyncset.done $0x0  }
0x46: {  	[sflag:s15] =	ssyncadd.s32 $0xFFFFF600  }
0x47: {  	[spmem:s2] =	stream.indirect.scatter.add.f32 [tilespmem:s14], [sflag:$0x2], $0x20, s13, s13, $0xb8;
	[tilespmem:$0x191A0] =	vst v63  }
0x48: {  	_ =	swait.ge [sflag:s12], $0xA00  }
0x49: {  	s16 =	sadd.s32 $0x1, s16;
	[sflag:s12] =	ssyncset.done $0x0  }
0x4a: {  	p0 =	sne.s32 s16, s8;
	[sflag:s12] =	ssyncadd.s32 $0xFFFFF600  }
.Ltmp1:
0x4b: {  	[bflag:$0x0] =	sbarrier.arrive $0xFFFF;
	(pc) =	sbr.rel @p0 .LBB2_1-.Ltmp1, $4  }
0x4c: {  	[hbm:s7], [sflag:s6] =	dma.local [spmem:s11], $0x30E0  }
0x4d: {  	_ =	swait.ge [sflag:s12], $0x30E0  }
0x4e: {  	[sflag:s12] =	ssyncset.done $0x0  }
0x4f: {  	[sflag:s12] =	ssyncadd.s32 $0xFFFFCF20  }
0x50: {  	_ =	sfence.sel $0x180000  }
0x51: {  	[bflag:$0x0] =	sbarrier.arrive $0xFFFF  }
0x52: {  	p0 =	sne.s32 s1, $0x0;
	_ =	strace $0x9000004A  }
0x53: {  	s0 =	sadd.s32 @!p0 $0x100000, s0;
	[bflag:$0x2] =	sbarrier.arrive $0xFFFF  }
0x54: {  	[sflag:s0] =	ssyncadd.tile.s32 @!p0 $0x1;
	_ =	shalt  }
.Lfunc_end2:
_tile_overlayer_lowered:
.L_overlay_start_2:
0x55: {  	(tag) =	ssettag $0x2  }
0x56: {  	s0 =	rddreg [dreg:$0x0];
	s2 =	stileid.u32  }
0x57: {  	s1 =	rddreg [dreg:$0x1];
	p0 =	sne.s32 s2, $0x0  }
0x58: {  	s3 =	rddreg [dreg:$0x2];
	[bflag:$0x3] =	sbarrier.arrive $0xFFFF;
	s2 =	simm.s32 @!p0 $0x1C02  }
0x59: {  	[timem:s3], [sflag:s2] =	dma.local @!p0 [hbm:s0], s1  }
0x5a: {  	s0 =	simm.s32 @!p0 $0x2  }
0x5b: {  	_ =	swait.ge @!p0 [sflag:s0], s1  }
0x5c: {  	s1 =	ssub.s32 @!p0 $0x0, s1;
	[sflag:s0] =	ssyncset.done @!p0 $0x0  }
0x5d: {  	[sflag:s0] =	ssyncadd.s32 @!p0 s1  }
0x5e: {  	[bflag:$0x3] =	sbarrier.arrive $0xFFFF  }
0x5f: {  	_ =	shalt  }

</sc_bundles>
